<compile_context>
chip_gen: v7x
topology: tpu7x:2x2x1
jax: 0.10.2.dev20260603
libtpu: 0.0.44.dev20260713+nightly
codegen_flags: <defaults>
</compile_context>

<pallas_src>
import functools

import jax
import jax.numpy as jnp
from jax import lax
from jax.experimental import pallas as pl
from jax.experimental.pallas import tpu as pltpu
from jax.experimental.pallas import tpu_sc as plsc

N_ROWS = 16384
N_CLS = 1000

R_TC = 14336
R_SC = N_ROWS - R_TC

TC_BR = 256
NSTREAM = 8
NB_TC = R_TC // TC_BR // NSTREAM

NUM_TECS = 32
ROWS_PER_TEC = max(R_SC // NUM_TECS, 16)
GROUPS_PER_TEC = ROWS_PER_TEC // 16
UNROLL = 8



def _sc_body(x_hbm, lab_hbm, out_hbm, buf0, buf1, lab_v, acc_v, sem0, sem1):
    wid = lax.axis_index("s") * 2 + lax.axis_index("c")
    base = R_TC + wid * ROWS_PER_TEC
    pltpu.sync_copy(lab_hbm.at[pl.ds(base, ROWS_PER_TEC)], lab_v)
    row_ids = lax.iota(jnp.int32, 16)
    bufs = (buf0, buf1)
    sems = (sem0, sem1)

    def start(g):
        return pltpu.async_copy(
            x_hbm.at[pl.ds(base + g * 16, 16), :], bufs[g % 2], sems[g % 2])

    acc_v[...] = jnp.zeros((16,), jnp.float32)
    pending = start(0)
    for g in range(GROUPS_PER_TEC):
        pending.wait()
        if g + 1 < GROUPS_PER_TEC:
            pending = start(g + 1)
        bg = bufs[g % 2]
        lab16 = lab_v[pl.ds(g * 16, 16)]
        tv = plsc.load_gather(bg, [row_ids, lab16])
        et = jnp.exp(tv)
        plsc.store_scatter(bg, [row_ids, lab16],
                           jnp.full((16,), -1e30, jnp.float32))

        zero = jnp.zeros((16,), jnp.float32)

        def col_step(k, carry):
            z_acc, en_acc, cv = carry
            for _ in range(UNROLL):
                e = jnp.exp(plsc.load_gather(bg, [row_ids, cv]))
                z_acc = z_acc + e
                en_acc = jnp.maximum(en_acc, e)
                cv = cv + 1
            return z_acc, en_acc, cv

        col0 = jnp.zeros((16,), jnp.int32)
        z_ex, en, _ = lax.fori_loop(
            0, N_CLS // UNROLL, col_step, (zero, zero, col0))
        z = z_ex + et
        acc_v[...] = acc_v[...] + (en - et) / z
    pltpu.sync_copy(acc_v, out_hbm.at[pl.ds(wid * 16, 16)])


def _sc_margin_partials(prediction, labels):
    mesh = plsc.VectorSubcoreMesh(core_axis_name="c", subcore_axis_name="s")
    kfn = functools.partial(
        pl.kernel,
        mesh=mesh,
        out_type=jax.ShapeDtypeStruct((NUM_TECS * 16,), jnp.float32),
        scratch_types=[
            pltpu.VMEM((16, N_CLS), jnp.float32),
            pltpu.VMEM((16, N_CLS), jnp.float32),
            pltpu.VMEM((ROWS_PER_TEC,), jnp.int32),
            pltpu.VMEM((16,), jnp.float32),
            pltpu.SemaphoreType.DMA,
            pltpu.SemaphoreType.DMA,
        ],
        compiler_params=pltpu.CompilerParams(needs_layout_passes=False, use_tc_tiling_on_sc=True),
    )(_sc_body)
    return kfn(prediction, labels)



def _tc_body(*refs):
    xs = refs[:NSTREAM]
    labs = refs[NSTREAM:2 * NSTREAM]
    acc_ref = refs[-1]
    i = pl.program_id(0)
    part = jnp.zeros((1, 1), jnp.float32)
    for x_ref, lab_ref in zip(xs, labs):
        x = x_ref[...]
        lab = lab_ref[...]
        cols = lax.broadcasted_iota(jnp.int32, x.shape, 1)
        is_t = cols == lab
        neg = jnp.float32(-jnp.inf)
        m = jnp.max(x, axis=1, keepdims=True)
        t = jnp.max(jnp.where(is_t, x, neg), axis=1, keepdims=True)
        s = jnp.max(jnp.where(is_t, neg, x), axis=1, keepdims=True)
        z = jnp.sum(jnp.exp(x - m), axis=1, keepdims=True)
        margin = (jnp.exp(s - m) - jnp.exp(t - m)) / z
        part = part + jnp.sum(margin).reshape(1, 1)
    prev = jnp.where(i == 0, jnp.zeros((1, 1), jnp.float32), acc_ref[...])
    acc_ref[...] = prev + part


def _tc_margin_sum(prediction, labels2):
    x_specs = [
        pl.BlockSpec((TC_BR, N_CLS),
                     functools.partial(lambda o, i: (i + o * NB_TC, 0), o))
        for o in range(NSTREAM)
    ]
    lab_specs = [
        pl.BlockSpec((TC_BR, 1),
                     functools.partial(lambda o, i: (i + o * NB_TC, 0), o))
        for o in range(NSTREAM)
    ]
    out = pl.pallas_call(
        _tc_body,
        grid=(NB_TC,),
        in_specs=x_specs + lab_specs,
        out_specs=pl.BlockSpec((1, 1), lambda i: (0, 0)),
        out_shape=jax.ShapeDtypeStruct((1, 1), jnp.float32),
    )(*([prediction] * NSTREAM + [labels2] * NSTREAM))
    return out



def _combine_body(tc_ref, parts_ref, out_ref):
    total = tc_ref[0, 0] + jnp.sum(parts_ref[...])
    out_ref[...] = (total / N_ROWS).reshape(1, 1)


def _combine(tc_sum, parts):
    out = pl.pallas_call(
        _combine_body,
        out_shape=jax.ShapeDtypeStruct((1, 1), jnp.float32),
    )(tc_sum, parts.reshape(NUM_TECS, 16))
    return out[0, 0]


def kernel(prediction, labels):
    labels_i32 = labels.astype(jnp.int32)
    if R_SC > 0:
        sc_parts = _sc_margin_partials(prediction, labels_i32)
    tc_sum = _tc_margin_sum(prediction, labels_i32.reshape(N_ROWS, 1))
    if R_SC > 0:
        return _combine(tc_sum, sc_parts)
    return tc_sum[0, 0] / N_ROWS

# --- scband reference (transcript-rebuilt; emitter-appended) ---
"""Pipeline reference for scband-rbcdattack-34918084117096 (READ-ONLY COPY).

The authoritative reference and input builder live on the scoring server;
editing this copy changes nothing except your own understanding.
"""

import jax, jax.numpy as jnp
import numpy as np


def setup_inputs(seed: int = 0) -> dict:
    key = jax.random.key(seed)
    k1, k2 = jax.random.split(key)
    prediction = jax.random.normal(k1, (16384, 1000), dtype=jnp.float32)
    labels = jax.random.randint(k2, (16384,), 0, 1000, dtype=jnp.int64 if jax.config.jax_enable_x64 else jnp.int32)
    return {"prediction": prediction, "labels": labels}


def reference(prediction, labels):
    # probability_margin_loss: the differentiable core objective of RBCDAttack.
    # logits = softmax(prediction)
    logits = jax.nn.softmax(prediction, axis=-1)
    n = logits.shape[0]
    lin = jnp.arange(n)
    # true class probability (gather)
    true_score = logits[lin, labels]
    # mask out true class and take best non-target score (scatter-overwrite + max-reduce)
    masked = logits.at[lin, labels].set(-jnp.inf)
    best_non_target = jnp.max(masked, axis=-1)
    margin_ = best_non_target - true_score
    return jnp.mean(margin_)

if __name__ == "__main__":
    import jax
    _d = setup_inputs()
    print(jax.jit(kernel)(*tuple(_d.values())))

</pallas_src>

<mosaic_0001>
#map = affine_map<(d0, d1) -> (0, 0)>
#map1 = affine_map<(d0, d1) -> (0)>
module attributes {stable_mosaic.version = 14 : i64} {
  func.func @_sc_body(%arg0: i32, %arg1: i32, %arg2: memref<16384x1000xf32, #tpu.memory_space<hbm>>, %arg3: memref<16384xi32, #tpu.memory_space<hbm>>, %arg4: memref<512xf32, #tpu.memory_space<hbm>>, %arg5: memref<16x1000xf32, #tpu.memory_space<vmem>>, %arg6: memref<16x1000xf32, #tpu.memory_space<vmem>>, %arg7: memref<64xi32, #tpu.memory_space<vmem>>, %arg8: memref<16xf32, #tpu.memory_space<vmem>>, %arg9: memref<!tpu.dma_semaphore, #tpu.memory_space<semaphore_mem>>, %arg10: memref<!tpu.dma_semaphore, #tpu.memory_space<semaphore_mem>>) attributes {dimension_semantics = [#tpu.dimension_semantics<core_parallel>, #tpu.dimension_semantics<subcore_parallel>], iteration_bounds = array<i64: 2, 16>, scalar_prefetch = 0 : i64, scratch_operands = 6 : i64, tpu.core_type = #tpu.core_type<sc_vector_subcore>, window_params = [{transform_indices = #map}, {transform_indices = #map1}, {transform_indices = #map1}]} {
    %mul3A = arith.constant 2 : i32
    %mul3A_0 = arith.muli %arg1, %mul3A : i32
    %add3A = arith.addi %mul3A_0, %arg0 : i32
    %mul3A_1 = arith.constant 64 : i32
    %mul3A_2 = arith.muli %add3A, %mul3A_1 : i32
    %add3A_3 = arith.constant 14336 : i32
    %add3A_4 = arith.addi %add3A_3, %mul3A_2 : i32
    "tpu.region"() ({
      %run_scoped3A = tpu.sem_alloc : memref<!tpu.dma_semaphore, #tpu.memory_space<semaphore_mem>>
      %dma_start3A_137 = tpu.memref_slice %arg3[%add3A_4] : memref<16384xi32, #tpu.memory_space<hbm>> -> memref<64xi32, #tpu.memory_space<hbm>>
      %dma_start3A_138 = tpu.memref_slice %arg3[%add3A_4] : memref<16384xi32, #tpu.memory_space<hbm>> -> memref<64xi32, #tpu.memory_space<hbm>>
      tpu.enqueue_dma source(%dma_start3A_138 : memref<64xi32, #tpu.memory_space<hbm>>) target(%arg7 : memref<64xi32, #tpu.memory_space<vmem>>) target_semaphore(%run_scoped3A : memref<!tpu.dma_semaphore, #tpu.memory_space<semaphore_mem>>)
      %dma_wait3A_139 = tpu.memref_slice %arg3[%add3A_4] : memref<16384xi32, #tpu.memory_space<hbm>> -> memref<64xi32, #tpu.memory_space<hbm>>
      %dma_wait3A_140 = tpu.memref_slice %arg3[%add3A_4] : memref<16384xi32, #tpu.memory_space<hbm>> -> memref<64xi32, #tpu.memory_space<hbm>>
      tpu.wait_dma2 semaphore(%run_scoped3A : memref<!tpu.dma_semaphore, #tpu.memory_space<semaphore_mem>>) src(%dma_wait3A_140 : memref<64xi32, #tpu.memory_space<hbm>>) dst(%arg7 : memref<64xi32, #tpu.memory_space<vmem>>)
      tpu.yield
    }) : () -> ()
    %iota3A = tpu.iota {dimensions = array<i32: 0>} : vector<16xi32>
    %broadcast_in_dim3A = arith.constant 0.000000e+00 : f32
    %broadcast_in_dim3A_5 = vector.broadcast %broadcast_in_dim3A : f32 to vector<16xf32>
    %swap3A = arith.constant 0 : index
    %swap3A_6 = tpu.vector_load %arg8[%swap3A] {strides = array<i32>} : memref<16xf32, #tpu.memory_space<vmem>>, vector<16xf32>,
    tpu.vector_store %arg8[%swap3A], %broadcast_in_dim3A_5 {strides = array<i32>} : memref<16xf32, #tpu.memory_space<vmem>>, vector<16xf32>,
    %add3A_7 = arith.constant 0 : i32
    %add3A_8 = arith.addi %add3A_4, %add3A_7 : i32
    %dma_start3A = arith.constant 0 : i32
    %dma_start3A_9 = tpu.memref_slice %arg2[%add3A_8, %dma_start3A] : memref<16384x1000xf32, #tpu.memory_space<hbm>> -> memref<16x1000xf32, #tpu.memory_space<hbm>>
    %dma_start3A_10 = arith.constant 0 : i32
    %dma_start3A_11 = tpu.memref_slice %arg2[%add3A_8, %dma_start3A_10] : memref<16384x1000xf32, #tpu.memory_space<hbm>> -> memref<16x1000xf32, #tpu.memory_space<hbm>>
    tpu.enqueue_dma source(%dma_start3A_11 : memref<16x1000xf32, #tpu.memory_space<hbm>>) target(%arg5 : memref<16x1000xf32, #tpu.memory_space<vmem>>) target_semaphore(%arg9 : memref<!tpu.dma_semaphore, #tpu.memory_space<semaphore_mem>>)
    %dma_wait3A = arith.constant 0 : i32
    %dma_wait3A_12 = tpu.memref_slice %arg2[%add3A_8, %dma_wait3A] : memref<16384x1000xf32, #tpu.memory_space<hbm>> -> memref<16x1000xf32, #tpu.memory_space<hbm>>
    %dma_wait3A_13 = arith.constant 0 : i32
    %dma_wait3A_14 = tpu.memref_slice %arg2[%add3A_8, %dma_wait3A_13] : memref<16384x1000xf32, #tpu.memory_space<hbm>> -> memref<16x1000xf32, #tpu.memory_space<hbm>>
    tpu.wait_dma2 semaphore(%arg9 : memref<!tpu.dma_semaphore, #tpu.memory_space<semaphore_mem>>) src(%dma_wait3A_14 : memref<16x1000xf32, #tpu.memory_space<hbm>>) dst(%arg5 : memref<16x1000xf32, #tpu.memory_space<vmem>>)
    %add3A_15 = arith.constant 16 : i32
    %add3A_16 = arith.addi %add3A_4, %add3A_15 : i32
    %dma_start3A_17 = arith.constant 0 : i32
    %dma_start3A_18 = tpu.memref_slice %arg2[%add3A_16, %dma_start3A_17] : memref<16384x1000xf32, #tpu.memory_space<hbm>> -> memref<16x1000xf32, #tpu.memory_space<hbm>>
    %dma_start3A_19 = arith.constant 0 : i32
    %dma_start3A_20 = tpu.memref_slice %arg2[%add3A_16, %dma_start3A_19] : memref<16384x1000xf32, #tpu.memory_space<hbm>> -> memref<16x1000xf32, #tpu.memory_space<hbm>>
    tpu.enqueue_dma source(%dma_start3A_20 : memref<16x1000xf32, #tpu.memory_space<hbm>>) target(%arg6 : memref<16x1000xf32, #tpu.memory_space<vmem>>) target_semaphore(%arg10 : memref<!tpu.dma_semaphore, #tpu.memory_space<semaphore_mem>>)
    %get3A = arith.constant 0 : index
    %get3A_21 = tpu.vector_load %arg7[%get3A] {strides = array<i32>} : memref<64xi32, #tpu.memory_space<vmem>>, vector<16xi32>,
    %gather3A = tpu.vector_load_idx %arg5[%iota3A, %get3A_21] : memref<16x1000xf32, #tpu.memory_space<vmem>>[vector<16xi32>, vector<16xi32>], vector<16xf32>,
    %exp3A = math.exp %gather3A : vector<16xf32>
    %broadcast_in_dim3A_22 = arith.constant -1.000000e+30 : f32
    %broadcast_in_dim3A_23 = vector.broadcast %broadcast_in_dim3A_22 : f32 to vector<16xf32>
    tpu.vector_store_idx %arg5[%iota3A, %get3A_21], %broadcast_in_dim3A_23 : memref<16x1000xf32, #tpu.memory_space<vmem>>[vector<16xi32>, vector<16xi32>], vector<16xf32>,
    %broadcast_in_dim3A_24 = arith.constant 0.000000e+00 : f32
    %broadcast_in_dim3A_25 = vector.broadcast %broadcast_in_dim3A_24 : f32 to vector<16xf32>
    %broadcast_in_dim3A_26 = arith.constant 0 : i32
    %broadcast_in_dim3A_27 = vector.broadcast %broadcast_in_dim3A_26 : i32 to vector<16xi32>
    %scan3A = arith.constant 0 : i32
    %scan3A_28 = arith.constant 125 : i32
    %scan3A_29 = arith.addi %scan3A, %scan3A_28 : i32
    %scan3A_30 = arith.constant 1 : i32
    %scan3A_31:3 = scf.for %scan3A_137 = %scan3A to %scan3A_29 step %scan3A_30 iter_args(%scan3A_138 = %broadcast_in_dim3A_25, %scan3A_139 = %broadcast_in_dim3A_25, %scan3A_140 = %broadcast_in_dim3A_27) -> (vector<16xf32>, vector<16xf32>, vector<16xi32>)  : i32 {
      %gather3A_141 = tpu.vector_load_idx %arg5[%iota3A, %scan3A_140] : memref<16x1000xf32, #tpu.memory_space<vmem>>[vector<16xi32>, vector<16xi32>], vector<16xf32>,
      %exp3A_142 = math.exp %gather3A_141 : vector<16xf32>
      %add3A_143 = arith.addf %scan3A_138, %exp3A_142 : vector<16xf32>
      %max3A = arith.maximumf %scan3A_139, %exp3A_142 : vector<16xf32>
      %add3A_144 = arith.constant 1 : i32
      %add3A_145 = vector.broadcast %add3A_144 : i32 to vector<16xi32>
      %add3A_146 = arith.addi %scan3A_140, %add3A_145 : vector<16xi32>
      %gather3A_147 = tpu.vector_load_idx %arg5[%iota3A, %add3A_146] : memref<16x1000xf32, #tpu.memory_space<vmem>>[vector<16xi32>, vector<16xi32>], vector<16xf32>,
      %exp3A_148 = math.exp %gather3A_147 : vector<16xf32>
      %add3A_149 = arith.addf %add3A_143, %exp3A_148 : vector<16xf32>
      %max3A_150 = arith.maximumf %max3A, %exp3A_148 : vector<16xf32>
      %add3A_151 = arith.constant 1 : i32
      %add3A_152 = vector.broadcast %add3A_151 : i32 to vector<16xi32>
      %add3A_153 = arith.addi %add3A_146, %add3A_152 : vector<16xi32>
      %gather3A_154 = tpu.vector_load_idx %arg5[%iota3A, %add3A_153] : memref<16x1000xf32, #tpu.memory_space<vmem>>[vector<16xi32>, vector<16xi32>], vector<16xf32>,
      %exp3A_155 = math.exp %gather3A_154 : vector<16xf32>
      %add3A_156 = arith.addf %add3A_149, %exp3A_155 : vector<16xf32>
      %max3A_157 = arith.maximumf %max3A_150, %exp3A_155 : vector<16xf32>
      %add3A_158 = arith.constant 1 : i32
      %add3A_159 = vector.broadcast %add3A_158 : i32 to vector<16xi32>
      %add3A_160 = arith.addi %add3A_153, %add3A_159 : vector<16xi32>
      %gather3A_161 = tpu.vector_load_idx %arg5[%iota3A, %add3A_160] : memref<16x1000xf32, #tpu.memory_space<vmem>>[vector<16xi32>, vector<16xi32>], vector<16xf32>,
      %exp3A_162 = math.exp %gather3A_161 : vector<16xf32>
      %add3A_163 = arith.addf %add3A_156, %exp3A_162 : vector<16xf32>
      %max3A_164 = arith.maximumf %max3A_157, %exp3A_162 : vector<16xf32>
      %add3A_165 = arith.constant 1 : i32
      %add3A_166 = vector.broadcast %add3A_165 : i32 to vector<16xi32>
      %add3A_167 = arith.addi %add3A_160, %add3A_166 : vector<16xi32>
      %gather3A_168 = tpu.vector_load_idx %arg5[%iota3A, %add3A_167] : memref<16x1000xf32, #tpu.memory_space<vmem>>[vector<16xi32>, vector<16xi32>], vector<16xf32>,
      %exp3A_169 = math.exp %gather3A_168 : vector<16xf32>
      %add3A_170 = arith.addf %add3A_163, %exp3A_169 : vector<16xf32>
      %max3A_171 = arith.maximumf %max3A_164, %exp3A_169 : vector<16xf32>
      %add3A_172 = arith.constant 1 : i32
      %add3A_173 = vector.broadcast %add3A_172 : i32 to vector<16xi32>
      %add3A_174 = arith.addi %add3A_167, %add3A_173 : vector<16xi32>
      %gather3A_175 = tpu.vector_load_idx %arg5[%iota3A, %add3A_174] : memref<16x1000xf32, #tpu.memory_space<vmem>>[vector<16xi32>, vector<16xi32>], vector<16xf32>,
      %exp3A_176 = math.exp %gather3A_175 : vector<16xf32>
      %add3A_177 = arith.addf %add3A_170, %exp3A_176 : vector<16xf32>
      %max3A_178 = arith.maximumf %max3A_171, %exp3A_176 : vector<16xf32>
      %add3A_179 = arith.constant 1 : i32
      %add3A_180 = vector.broadcast %add3A_179 : i32 to vector<16xi32>
      %add3A_181 = arith.addi %add3A_174, %add3A_180 : vector<16xi32>
      %gather3A_182 = tpu.vector_load_idx %arg5[%iota3A, %add3A_181] : memref<16x1000xf32, #tpu.memory_space<vmem>>[vector<16xi32>, vector<16xi32>], vector<16xf32>,
      %exp3A_183 = math.exp %gather3A_182 : vector<16xf32>
      %add3A_184 = arith.addf %add3A_177, %exp3A_183 : vector<16xf32>
      %max3A_185 = arith.maximumf %max3A_178, %exp3A_183 : vector<16xf32>
      %add3A_186 = arith.constant 1 : i32
      %add3A_187 = vector.broadcast %add3A_186 : i32 to vector<16xi32>
      %add3A_188 = arith.addi %add3A_181, %add3A_187 : vector<16xi32>
      %gather3A_189 = tpu.vector_load_idx %arg5[%iota3A, %add3A_188] : memref<16x1000xf32, #tpu.memory_space<vmem>>[vector<16xi32>, vector<16xi32>], vector<16xf32>,
      %exp3A_190 = math.exp %gather3A_189 : vector<16xf32>
      %add3A_191 = arith.addf %add3A_184, %exp3A_190 : vector<16xf32>
      %max3A_192 = arith.maximumf %max3A_185, %exp3A_190 : vector<16xf32>
      %add3A_193 = arith.constant 1 : i32
      %add3A_194 = vector.broadcast %add3A_193 : i32 to vector<16xi32>
      %add3A_195 = arith.addi %add3A_188, %add3A_194 : vector<16xi32>
      scf.yield %add3A_191, %max3A_192, %add3A_195 : vector<16xf32>, vector<16xf32>, vector<16xi32>
    }
    %scan3A_32 = arith.constant 125 : i32
    %add3A_33 = arith.addf %scan3A_31#0, %exp3A : vector<16xf32>
    %get3A_34 = arith.constant 0 : index
    %get3A_35 = tpu.vector_load %arg8[%get3A_34] {strides = array<i32>} : memref<16xf32, #tpu.memory_space<vmem>>, vector<16xf32>,
    %sub3A = arith.subf %scan3A_31#1, %exp3A : vector<16xf32>
    %div3A = arith.divf %sub3A, %add3A_33 : vector<16xf32>
    %add3A_36 = arith.addf %get3A_35, %div3A : vector<16xf32>
    %swap3A_37 = arith.constant 0 : index
    %swap3A_38 = tpu.vector_load %arg8[%swap3A_37] {strides = array<i32>} : memref<16xf32, #tpu.memory_space<vmem>>, vector<16xf32>,
    tpu.vector_store %arg8[%swap3A_37], %add3A_36 {strides = array<i32>} : memref<16xf32, #tpu.memory_space<vmem>>, vector<16xf32>,
    %dma_wait3A_39 = arith.constant 0 : i32
    %dma_wait3A_40 = tpu.memref_slice %arg2[%add3A_16, %dma_wait3A_39] : memref<16384x1000xf32, #tpu.memory_space<hbm>> -> memref<16x1000xf32, #tpu.memory_space<hbm>>
    %dma_wait3A_41 = arith.constant 0 : i32
    %dma_wait3A_42 = tpu.memref_slice %arg2[%add3A_16, %dma_wait3A_41] : memref<16384x1000xf32, #tpu.memory_space<hbm>> -> memref<16x1000xf32, #tpu.memory_space<hbm>>
    tpu.wait_dma2 semaphore(%arg10 : memref<!tpu.dma_semaphore, #tpu.memory_space<semaphore_mem>>) src(%dma_wait3A_42 : memref<16x1000xf32, #tpu.memory_space<hbm>>) dst(%arg6 : memref<16x1000xf32, #tpu.memory_space<vmem>>)
    %add3A_43 = arith.constant 32 : i32
    %add3A_44 = arith.addi %add3A_4, %add3A_43 : i32
    %dma_start3A_45 = arith.constant 0 : i32
    %dma_start3A_46 = tpu.memref_slice %arg2[%add3A_44, %dma_start3A_45] : memref<16384x1000xf32, #tpu.memory_space<hbm>> -> memref<16x1000xf32, #tpu.memory_space<hbm>>
    %dma_start3A_47 = arith.constant 0 : i32
    %dma_start3A_48 = tpu.memref_slice %arg2[%add3A_44, %dma_start3A_47] : memref<16384x1000xf32, #tpu.memory_space<hbm>> -> memref<16x1000xf32, #tpu.memory_space<hbm>>
    tpu.enqueue_dma source(%dma_start3A_48 : memref<16x1000xf32, #tpu.memory_space<hbm>>) target(%arg5 : memref<16x1000xf32, #tpu.memory_space<vmem>>) target_semaphore(%arg9 : memref<!tpu.dma_semaphore, #tpu.memory_space<semaphore_mem>>)
    %get3A_49 = arith.constant 16 : index
    %get3A_50 = tpu.vector_load %arg7[%get3A_49] {strides = array<i32>} : memref<64xi32, #tpu.memory_space<vmem>>, vector<16xi32>,
    %gather3A_51 = tpu.vector_load_idx %arg6[%iota3A, %get3A_50] : memref<16x1000xf32, #tpu.memory_space<vmem>>[vector<16xi32>, vector<16xi32>], vector<16xf32>,
    %exp3A_52 = math.exp %gather3A_51 : vector<16xf32>
    %broadcast_in_dim3A_53 = arith.constant -1.000000e+30 : f32
    %broadcast_in_dim3A_54 = vector.broadcast %broadcast_in_dim3A_53 : f32 to vector<16xf32>
    tpu.vector_store_idx %arg6[%iota3A, %get3A_50], %broadcast_in_dim3A_54 : memref<16x1000xf32, #tpu.memory_space<vmem>>[vector<16xi32>, vector<16xi32>], vector<16xf32>,
    %broadcast_in_dim3A_55 = arith.constant 0.000000e+00 : f32
    %broadcast_in_dim3A_56 = vector.broadcast %broadcast_in_dim3A_55 : f32 to vector<16xf32>
    %broadcast_in_dim3A_57 = arith.constant 0 : i32
    %broadcast_in_dim3A_58 = vector.broadcast %broadcast_in_dim3A_57 : i32 to vector<16xi32>
    %scan3A_59 = arith.constant 0 : i32
    %scan3A_60 = arith.constant 125 : i32
    %scan3A_61 = arith.addi %scan3A_59, %scan3A_60 : i32
    %scan3A_62 = arith.constant 1 : i32
    %scan3A_63:3 = scf.for %scan3A_137 = %scan3A_59 to %scan3A_61 step %scan3A_62 iter_args(%scan3A_138 = %broadcast_in_dim3A_56, %scan3A_139 = %broadcast_in_dim3A_56, %scan3A_140 = %broadcast_in_dim3A_58) -> (vector<16xf32>, vector<16xf32>, vector<16xi32>)  : i32 {
      %gather3A_141 = tpu.vector_load_idx %arg6[%iota3A, %scan3A_140] : memref<16x1000xf32, #tpu.memory_space<vmem>>[vector<16xi32>, vector<16xi32>], vector<16xf32>,
      %exp3A_142 = math.exp %gather3A_141 : vector<16xf32>
      %add3A_143 = arith.addf %scan3A_138, %exp3A_142 : vector<16xf32>
      %max3A = arith.maximumf %scan3A_139, %exp3A_142 : vector<16xf32>
      %add3A_144 = arith.constant 1 : i32
      %add3A_145 = vector.broadcast %add3A_144 : i32 to vector<16xi32>
      %add3A_146 = arith.addi %scan3A_140, %add3A_145 : vector<16xi32>
      %gather3A_147 = tpu.vector_load_idx %arg6[%iota3A, %add3A_146] : memref<16x1000xf32, #tpu.memory_space<vmem>>[vector<16xi32>, vector<16xi32>], vector<16xf32>,
      %exp3A_148 = math.exp %gather3A_147 : vector<16xf32>
      %add3A_149 = arith.addf %add3A_143, %exp3A_148 : vector<16xf32>
      %max3A_150 = arith.maximumf %max3A, %exp3A_148 : vector<16xf32>
      %add3A_151 = arith.constant 1 : i32
      %add3A_152 = vector.broadcast %add3A_151 : i32 to vector<16xi32>
      %add3A_153 = arith.addi %add3A_146, %add3A_152 : vector<16xi32>
      %gather3A_154 = tpu.vector_load_idx %arg6[%iota3A, %add3A_153] : memref<16x1000xf32, #tpu.memory_space<vmem>>[vector<16xi32>, vector<16xi32>], vector<16xf32>,
      %exp3A_155 = math.exp %gather3A_154 : vector<16xf32>
      %add3A_156 = arith.addf %add3A_149, %exp3A_155 : vector<16xf32>
      %max3A_157 = arith.maximumf %max3A_150, %exp3A_155 : vector<16xf32>
      %add3A_158 = arith.constant 1 : i32
      %add3A_159 = vector.broadcast %add3A_158 : i32 to vector<16xi32>
      %add3A_160 = arith.addi %add3A_153, %add3A_159 : vector<16xi32>
      %gather3A_161 = tpu.vector_load_idx %arg6[%iota3A, %add3A_160] : memref<16x1000xf32, #tpu.memory_space<vmem>>[vector<16xi32>, vector<16xi32>], vector<16xf32>,
      %exp3A_162 = math.exp %gather3A_161 : vector<16xf32>
      %add3A_163 = arith.addf %add3A_156, %exp3A_162 : vector<16xf32>
      %max3A_164 = arith.maximumf %max3A_157, %exp3A_162 : vector<16xf32>
      %add3A_165 = arith.constant 1 : i32
      %add3A_166 = vector.broadcast %add3A_165 : i32 to vector<16xi32>
      %add3A_167 = arith.addi %add3A_160, %add3A_166 : vector<16xi32>
      %gather3A_168 = tpu.vector_load_idx %arg6[%iota3A, %add3A_167] : memref<16x1000xf32, #tpu.memory_space<vmem>>[vector<16xi32>, vector<16xi32>], vector<16xf32>,
      %exp3A_169 = math.exp %gather3A_168 : vector<16xf32>
      %add3A_170 = arith.addf %add3A_163, %exp3A_169 : vector<16xf32>
      %max3A_171 = arith.maximumf %max3A_164, %exp3A_169 : vector<16xf32>
      %add3A_172 = arith.constant 1 : i32
      %add3A_173 = vector.broadcast %add3A_172 : i32 to vector<16xi32>
      %add3A_174 = arith.addi %add3A_167, %add3A_173 : vector<16xi32>
      %gather3A_175 = tpu.vector_load_idx %arg6[%iota3A, %add3A_174] : memref<16x1000xf32, #tpu.memory_space<vmem>>[vector<16xi32>, vector<16xi32>], vector<16xf32>,
      %exp3A_176 = math.exp %gather3A_175 : vector<16xf32>
      %add3A_177 = arith.addf %add3A_170, %exp3A_176 : vector<16xf32>
      %max3A_178 = arith.maximumf %max3A_171, %exp3A_176 : vector<16xf32>
      %add3A_179 = arith.constant 1 : i32
      %add3A_180 = vector.broadcast %add3A_179 : i32 to vector<16xi32>
      %add3A_181 = arith.addi %add3A_174, %add3A_180 : vector<16xi32>
      %gather3A_182 = tpu.vector_load_idx %arg6[%iota3A, %add3A_181] : memref<16x1000xf32, #tpu.memory_space<vmem>>[vector<16xi32>, vector<16xi32>], vector<16xf32>,
      %exp3A_183 = math.exp %gather3A_182 : vector<16xf32>
      %add3A_184 = arith.addf %add3A_177, %exp3A_183 : vector<16xf32>
      %max3A_185 = arith.maximumf %max3A_178, %exp3A_183 : vector<16xf32>
      %add3A_186 = arith.constant 1 : i32
      %add3A_187 = vector.broadcast %add3A_186 : i32 to vector<16xi32>
      %add3A_188 = arith.addi %add3A_181, %add3A_187 : vector<16xi32>
      %gather3A_189 = tpu.vector_load_idx %arg6[%iota3A, %add3A_188] : memref<16x1000xf32, #tpu.memory_space<vmem>>[vector<16xi32>, vector<16xi32>], vector<16xf32>,
      %exp3A_190 = math.exp %gather3A_189 : vector<16xf32>
      %add3A_191 = arith.addf %add3A_184, %exp3A_190 : vector<16xf32>
      %max3A_192 = arith.maximumf %max3A_185, %exp3A_190 : vector<16xf32>
      %add3A_193 = arith.constant 1 : i32
      %add3A_194 = vector.broadcast %add3A_193 : i32 to vector<16xi32>
      %add3A_195 = arith.addi %add3A_188, %add3A_194 : vector<16xi32>
      scf.yield %add3A_191, %max3A_192, %add3A_195 : vector<16xf32>, vector<16xf32>, vector<16xi32>
    }
    %scan3A_64 = arith.constant 125 : i32
    %add3A_65 = arith.addf %scan3A_63#0, %exp3A_52 : vector<16xf32>
    %get3A_66 = arith.constant 0 : index
    %get3A_67 = tpu.vector_load %arg8[%get3A_66] {strides = array<i32>} : memref<16xf32, #tpu.memory_space<vmem>>, vector<16xf32>,
    %sub3A_68 = arith.subf %scan3A_63#1, %exp3A_52 : vector<16xf32>
    %div3A_69 = arith.divf %sub3A_68, %add3A_65 : vector<16xf32>
    %add3A_70 = arith.addf %get3A_67, %div3A_69 : vector<16xf32>
    %swap3A_71 = arith.constant 0 : index
    %swap3A_72 = tpu.vector_load %arg8[%swap3A_71] {strides = array<i32>} : memref<16xf32, #tpu.memory_space<vmem>>, vector<16xf32>,
    tpu.vector_store %arg8[%swap3A_71], %add3A_70 {strides = array<i32>} : memref<16xf32, #tpu.memory_space<vmem>>, vector<16xf32>,
    %dma_wait3A_73 = arith.constant 0 : i32
    %dma_wait3A_74 = tpu.memref_slice %arg2[%add3A_44, %dma_wait3A_73] : memref<16384x1000xf32, #tpu.memory_space<hbm>> -> memref<16x1000xf32, #tpu.memory_space<hbm>>
    %dma_wait3A_75 = arith.constant 0 : i32
    %dma_wait3A_76 = tpu.memref_slice %arg2[%add3A_44, %dma_wait3A_75] : memref<16384x1000xf32, #tpu.memory_space<hbm>> -> memref<16x1000xf32, #tpu.memory_space<hbm>>
    tpu.wait_dma2 semaphore(%arg9 : memref<!tpu.dma_semaphore, #tpu.memory_space<semaphore_mem>>) src(%dma_wait3A_76 : memref<16x1000xf32, #tpu.memory_space<hbm>>) dst(%arg5 : memref<16x1000xf32, #tpu.memory_space<vmem>>)
    %add3A_77 = arith.constant 48 : i32
    %add3A_78 = arith.addi %add3A_4, %add3A_77 : i32
    %dma_start3A_79 = arith.constant 0 : i32
    %dma_start3A_80 = tpu.memref_slice %arg2[%add3A_78, %dma_start3A_79] : memref<16384x1000xf32, #tpu.memory_space<hbm>> -> memref<16x1000xf32, #tpu.memory_space<hbm>>
    %dma_start3A_81 = arith.constant 0 : i32
    %dma_start3A_82 = tpu.memref_slice %arg2[%add3A_78, %dma_start3A_81] : memref<16384x1000xf32, #tpu.memory_space<hbm>> -> memref<16x1000xf32, #tpu.memory_space<hbm>>
    tpu.enqueue_dma source(%dma_start3A_82 : memref<16x1000xf32, #tpu.memory_space<hbm>>) target(%arg6 : memref<16x1000xf32, #tpu.memory_space<vmem>>) target_semaphore(%arg10 : memref<!tpu.dma_semaphore, #tpu.memory_space<semaphore_mem>>)
    %get3A_83 = arith.constant 32 : index
    %get3A_84 = tpu.vector_load %arg7[%get3A_83] {strides = array<i32>} : memref<64xi32, #tpu.memory_space<vmem>>, vector<16xi32>,
    %gather3A_85 = tpu.vector_load_idx %arg5[%iota3A, %get3A_84] : memref<16x1000xf32, #tpu.memory_space<vmem>>[vector<16xi32>, vector<16xi32>], vector<16xf32>,
    %exp3A_86 = math.exp %gather3A_85 : vector<16xf32>
    %broadcast_in_dim3A_87 = arith.constant -1.000000e+30 : f32
    %broadcast_in_dim3A_88 = vector.broadcast %broadcast_in_dim3A_87 : f32 to vector<16xf32>
    tpu.vector_store_idx %arg5[%iota3A, %get3A_84], %broadcast_in_dim3A_88 : memref<16x1000xf32, #tpu.memory_space<vmem>>[vector<16xi32>, vector<16xi32>], vector<16xf32>,
    %broadcast_in_dim3A_89 = arith.constant 0.000000e+00 : f32
    %broadcast_in_dim3A_90 = vector.broadcast %broadcast_in_dim3A_89 : f32 to vector<16xf32>
    %broadcast_in_dim3A_91 = arith.constant 0 : i32
    %broadcast_in_dim3A_92 = vector.broadcast %broadcast_in_dim3A_91 : i32 to vector<16xi32>
    %scan3A_93 = arith.constant 0 : i32
    %scan3A_94 = arith.constant 125 : i32
    %scan3A_95 = arith.addi %scan3A_93, %scan3A_94 : i32
    %scan3A_96 = arith.constant 1 : i32
    %scan3A_97:3 = scf.for %scan3A_137 = %scan3A_93 to %scan3A_95 step %scan3A_96 iter_args(%scan3A_138 = %broadcast_in_dim3A_90, %scan3A_139 = %broadcast_in_dim3A_90, %scan3A_140 = %broadcast_in_dim3A_92) -> (vector<16xf32>, vector<16xf32>, vector<16xi32>)  : i32 {
      %gather3A_141 = tpu.vector_load_idx %arg5[%iota3A, %scan3A_140] : memref<16x1000xf32, #tpu.memory_space<vmem>>[vector<16xi32>, vector<16xi32>], vector<16xf32>,
      %exp3A_142 = math.exp %gather3A_141 : vector<16xf32>
      %add3A_143 = arith.addf %scan3A_138, %exp3A_142 : vector<16xf32>
      %max3A = arith.maximumf %scan3A_139, %exp3A_142 : vector<16xf32>
      %add3A_144 = arith.constant 1 : i32
      %add3A_145 = vector.broadcast %add3A_144 : i32 to vector<16xi32>
      %add3A_146 = arith.addi %scan3A_140, %add3A_145 : vector<16xi32>
      %gather3A_147 = tpu.vector_load_idx %arg5[%iota3A, %add3A_146] : memref<16x1000xf32, #tpu.memory_space<vmem>>[vector<16xi32>, vector<16xi32>], vector<16xf32>,
      %exp3A_148 = math.exp %gather3A_147 : vector<16xf32>
      %add3A_149 = arith.addf %add3A_143, %exp3A_148 : vector<16xf32>
      %max3A_150 = arith.maximumf %max3A, %exp3A_148 : vector<16xf32>
      %add3A_151 = arith.constant 1 : i32
      %add3A_152 = vector.broadcast %add3A_151 : i32 to vector<16xi32>
      %add3A_153 = arith.addi %add3A_146, %add3A_152 : vector<16xi32>
      %gather3A_154 = tpu.vector_load_idx %arg5[%iota3A, %add3A_153] : memref<16x1000xf32, #tpu.memory_space<vmem>>[vector<16xi32>, vector<16xi32>], vector<16xf32>,
      %exp3A_155 = math.exp %gather3A_154 : vector<16xf32>
      %add3A_156 = arith.addf %add3A_149, %exp3A_155 : vector<16xf32>
      %max3A_157 = arith.maximumf %max3A_150, %exp3A_155 : vector<16xf32>
      %add3A_158 = arith.constant 1 : i32
      %add3A_159 = vector.broadcast %add3A_158 : i32 to vector<16xi32>
      %add3A_160 = arith.addi %add3A_153, %add3A_159 : vector<16xi32>
      %gather3A_161 = tpu.vector_load_idx %arg5[%iota3A, %add3A_160] : memref<16x1000xf32, #tpu.memory_space<vmem>>[vector<16xi32>, vector<16xi32>], vector<16xf32>,
      %exp3A_162 = math.exp %gather3A_161 : vector<16xf32>
      %add3A_163 = arith.addf %add3A_156, %exp3A_162 : vector<16xf32>
      %max3A_164 = arith.maximumf %max3A_157, %exp3A_162 : vector<16xf32>
      %add3A_165 = arith.constant 1 : i32
      %add3A_166 = vector.broadcast %add3A_165 : i32 to vector<16xi32>
      %add3A_167 = arith.addi %add3A_160, %add3A_166 : vector<16xi32>
      %gather3A_168 = tpu.vector_load_idx %arg5[%iota3A, %add3A_167] : memref<16x1000xf32, #tpu.memory_space<vmem>>[vector<16xi32>, vector<16xi32>], vector<16xf32>,
      %exp3A_169 = math.exp %gather3A_168 : vector<16xf32>
      %add3A_170 = arith.addf %add3A_163, %exp3A_169 : vector<16xf32>
      %max3A_171 = arith.maximumf %max3A_164, %exp3A_169 : vector<16xf32>
      %add3A_172 = arith.constant 1 : i32
      %add3A_173 = vector.broadcast %add3A_172 : i32 to vector<16xi32>
      %add3A_174 = arith.addi %add3A_167, %add3A_173 : vector<16xi32>
      %gather3A_175 = tpu.vector_load_idx %arg5[%iota3A, %add3A_174] : memref<16x1000xf32, #tpu.memory_space<vmem>>[vector<16xi32>, vector<16xi32>], vector<16xf32>,
      %exp3A_176 = math.exp %gather3A_175 : vector<16xf32>
      %add3A_177 = arith.addf %add3A_170, %exp3A_176 : vector<16xf32>
      %max3A_178 = arith.maximumf %max3A_171, %exp3A_176 : vector<16xf32>
      %add3A_179 = arith.constant 1 : i32
      %add3A_180 = vector.broadcast %add3A_179 : i32 to vector<16xi32>
      %add3A_181 = arith.addi %add3A_174, %add3A_180 : vector<16xi32>
      %gather3A_182 = tpu.vector_load_idx %arg5[%iota3A, %add3A_181] : memref<16x1000xf32, #tpu.memory_space<vmem>>[vector<16xi32>, vector<16xi32>], vector<16xf32>,
      %exp3A_183 = math.exp %gather3A_182 : vector<16xf32>
      %add3A_184 = arith.addf %add3A_177, %exp3A_183 : vector<16xf32>
      %max3A_185 = arith.maximumf %max3A_178, %exp3A_183 : vector<16xf32>
      %add3A_186 = arith.constant 1 : i32
      %add3A_187 = vector.broadcast %add3A_186 : i32 to vector<16xi32>
      %add3A_188 = arith.addi %add3A_181, %add3A_187 : vector<16xi32>
      %gather3A_189 = tpu.vector_load_idx %arg5[%iota3A, %add3A_188] : memref<16x1000xf32, #tpu.memory_space<vmem>>[vector<16xi32>, vector<16xi32>], vector<16xf32>,
      %exp3A_190 = math.exp %gather3A_189 : vector<16xf32>
      %add3A_191 = arith.addf %add3A_184, %exp3A_190 : vector<16xf32>
      %max3A_192 = arith.maximumf %max3A_185, %exp3A_190 : vector<16xf32>
      %add3A_193 = arith.constant 1 : i32
      %add3A_194 = vector.broadcast %add3A_193 : i32 to vector<16xi32>
      %add3A_195 = arith.addi %add3A_188, %add3A_194 : vector<16xi32>
      scf.yield %add3A_191, %max3A_192, %add3A_195 : vector<16xf32>, vector<16xf32>, vector<16xi32>
    }
    %scan3A_98 = arith.constant 125 : i32
    %add3A_99 = arith.addf %scan3A_97#0, %exp3A_86 : vector<16xf32>
    %get3A_100 = arith.constant 0 : index
    %get3A_101 = tpu.vector_load %arg8[%get3A_100] {strides = array<i32>} : memref<16xf32, #tpu.memory_space<vmem>>, vector<16xf32>,
    %sub3A_102 = arith.subf %scan3A_97#1, %exp3A_86 : vector<16xf32>
    %div3A_103 = arith.divf %sub3A_102, %add3A_99 : vector<16xf32>
    %add3A_104 = arith.addf %get3A_101, %div3A_103 : vector<16xf32>
    %swap3A_105 = arith.constant 0 : index
    %swap3A_106 = tpu.vector_load %arg8[%swap3A_105] {strides = array<i32>} : memref<16xf32, #tpu.memory_space<vmem>>, vector<16xf32>,
    tpu.vector_store %arg8[%swap3A_105], %add3A_104 {strides = array<i32>} : memref<16xf32, #tpu.memory_space<vmem>>, vector<16xf32>,
    %dma_wait3A_107 = arith.constant 0 : i32
    %dma_wait3A_108 = tpu.memref_slice %arg2[%add3A_78, %dma_wait3A_107] : memref<16384x1000xf32, #tpu.memory_space<hbm>> -> memref<16x1000xf32, #tpu.memory_space<hbm>>
    %dma_wait3A_109 = arith.constant 0 : i32
    %dma_wait3A_110 = tpu.memref_slice %arg2[%add3A_78, %dma_wait3A_109] : memref<16384x1000xf32, #tpu.memory_space<hbm>> -> memref<16x1000xf32, #tpu.memory_space<hbm>>
    tpu.wait_dma2 semaphore(%arg10 : memref<!tpu.dma_semaphore, #tpu.memory_space<semaphore_mem>>) src(%dma_wait3A_110 : memref<16x1000xf32, #tpu.memory_space<hbm>>) dst(%arg6 : memref<16x1000xf32, #tpu.memory_space<vmem>>)
    %get3A_111 = arith.constant 48 : index
    %get3A_112 = tpu.vector_load %arg7[%get3A_111] {strides = array<i32>} : memref<64xi32, #tpu.memory_space<vmem>>, vector<16xi32>,
    %gather3A_113 = tpu.vector_load_idx %arg6[%iota3A, %get3A_112] : memref<16x1000xf32, #tpu.memory_space<vmem>>[vector<16xi32>, vector<16xi32>], vector<16xf32>,
    %exp3A_114 = math.exp %gather3A_113 : vector<16xf32>
    %broadcast_in_dim3A_115 = arith.constant -1.000000e+30 : f32
    %broadcast_in_dim3A_116 = vector.broadcast %broadcast_in_dim3A_115 : f32 to vector<16xf32>
    tpu.vector_store_idx %arg6[%iota3A, %get3A_112], %broadcast_in_dim3A_116 : memref<16x1000xf32, #tpu.memory_space<vmem>>[vector<16xi32>, vector<16xi32>], vector<16xf32>,
    %broadcast_in_dim3A_117 = arith.constant 0.000000e+00 : f32
    %broadcast_in_dim3A_118 = vector.broadcast %broadcast_in_dim3A_117 : f32 to vector<16xf32>
    %broadcast_in_dim3A_119 = arith.constant 0 : i32
    %broadcast_in_dim3A_120 = vector.broadcast %broadcast_in_dim3A_119 : i32 to vector<16xi32>
    %scan3A_121 = arith.constant 0 : i32
    %scan3A_122 = arith.constant 125 : i32
    %scan3A_123 = arith.addi %scan3A_121, %scan3A_122 : i32
    %scan3A_124 = arith.constant 1 : i32
    %scan3A_125:3 = scf.for %scan3A_137 = %scan3A_121 to %scan3A_123 step %scan3A_124 iter_args(%scan3A_138 = %broadcast_in_dim3A_118, %scan3A_139 = %broadcast_in_dim3A_118, %scan3A_140 = %broadcast_in_dim3A_120) -> (vector<16xf32>, vector<16xf32>, vector<16xi32>)  : i32 {
      %gather3A_141 = tpu.vector_load_idx %arg6[%iota3A, %scan3A_140] : memref<16x1000xf32, #tpu.memory_space<vmem>>[vector<16xi32>, vector<16xi32>], vector<16xf32>,
      %exp3A_142 = math.exp %gather3A_141 : vector<16xf32>
      %add3A_143 = arith.addf %scan3A_138, %exp3A_142 : vector<16xf32>
      %max3A = arith.maximumf %scan3A_139, %exp3A_142 : vector<16xf32>
      %add3A_144 = arith.constant 1 : i32
      %add3A_145 = vector.broadcast %add3A_144 : i32 to vector<16xi32>
      %add3A_146 = arith.addi %scan3A_140, %add3A_145 : vector<16xi32>
      %gather3A_147 = tpu.vector_load_idx %arg6[%iota3A, %add3A_146] : memref<16x1000xf32, #tpu.memory_space<vmem>>[vector<16xi32>, vector<16xi32>], vector<16xf32>,
      %exp3A_148 = math.exp %gather3A_147 : vector<16xf32>
      %add3A_149 = arith.addf %add3A_143, %exp3A_148 : vector<16xf32>
      %max3A_150 = arith.maximumf %max3A, %exp3A_148 : vector<16xf32>
      %add3A_151 = arith.constant 1 : i32
      %add3A_152 = vector.broadcast %add3A_151 : i32 to vector<16xi32>
      %add3A_153 = arith.addi %add3A_146, %add3A_152 : vector<16xi32>
      %gather3A_154 = tpu.vector_load_idx %arg6[%iota3A, %add3A_153] : memref<16x1000xf32, #tpu.memory_space<vmem>>[vector<16xi32>, vector<16xi32>], vector<16xf32>,
      %exp3A_155 = math.exp %gather3A_154 : vector<16xf32>
      %add3A_156 = arith.addf %add3A_149, %exp3A_155 : vector<16xf32>
      %max3A_157 = arith.maximumf %max3A_150, %exp3A_155 : vector<16xf32>
      %add3A_158 = arith.constant 1 : i32
      %add3A_159 = vector.broadcast %add3A_158 : i32 to vector<16xi32>
      %add3A_160 = arith.addi %add3A_153, %add3A_159 : vector<16xi32>
      %gather3A_161 = tpu.vector_load_idx %arg6[%iota3A, %add3A_160] : memref<16x1000xf32, #tpu.memory_space<vmem>>[vector<16xi32>, vector<16xi32>], vector<16xf32>,
      %exp3A_162 = math.exp %gather3A_161 : vector<16xf32>
      %add3A_163 = arith.addf %add3A_156, %exp3A_162 : vector<16xf32>
      %max3A_164 = arith.maximumf %max3A_157, %exp3A_162 : vector<16xf32>
      %add3A_165 = arith.constant 1 : i32
      %add3A_166 = vector.broadcast %add3A_165 : i32 to vector<16xi32>
      %add3A_167 = arith.addi %add3A_160, %add3A_166 : vector<16xi32>
      %gather3A_168 = tpu.vector_load_idx %arg6[%iota3A, %add3A_167] : memref<16x1000xf32, #tpu.memory_space<vmem>>[vector<16xi32>, vector<16xi32>], vector<16xf32>,
      %exp3A_169 = math.exp %gather3A_168 : vector<16xf32>
      %add3A_170 = arith.addf %add3A_163, %exp3A_169 : vector<16xf32>
      %max3A_171 = arith.maximumf %max3A_164, %exp3A_169 : vector<16xf32>
      %add3A_172 = arith.constant 1 : i32
      %add3A_173 = vector.broadcast %add3A_172 : i32 to vector<16xi32>
      %add3A_174 = arith.addi %add3A_167, %add3A_173 : vector<16xi32>
      %gather3A_175 = tpu.vector_load_idx %arg6[%iota3A, %add3A_174] : memref<16x1000xf32, #tpu.memory_space<vmem>>[vector<16xi32>, vector<16xi32>], vector<16xf32>,
      %exp3A_176 = math.exp %gather3A_175 : vector<16xf32>
      %add3A_177 = arith.addf %add3A_170, %exp3A_176 : vector<16xf32>
      %max3A_178 = arith.maximumf %max3A_171, %exp3A_176 : vector<16xf32>
      %add3A_179 = arith.constant 1 : i32
      %add3A_180 = vector.broadcast %add3A_179 : i32 to vector<16xi32>
      %add3A_181 = arith.addi %add3A_174, %add3A_180 : vector<16xi32>
      %gather3A_182 = tpu.vector_load_idx %arg6[%iota3A, %add3A_181] : memref<16x1000xf32, #tpu.memory_space<vmem>>[vector<16xi32>, vector<16xi32>], vector<16xf32>,
      %exp3A_183 = math.exp %gather3A_182 : vector<16xf32>
      %add3A_184 = arith.addf %add3A_177, %exp3A_183 : vector<16xf32>
      %max3A_185 = arith.maximumf %max3A_178, %exp3A_183 : vector<16xf32>
      %add3A_186 = arith.constant 1 : i32
      %add3A_187 = vector.broadcast %add3A_186 : i32 to vector<16xi32>
      %add3A_188 = arith.addi %add3A_181, %add3A_187 : vector<16xi32>
      %gather3A_189 = tpu.vector_load_idx %arg6[%iota3A, %add3A_188] : memref<16x1000xf32, #tpu.memory_space<vmem>>[vector<16xi32>, vector<16xi32>], vector<16xf32>,
      %exp3A_190 = math.exp %gather3A_189 : vector<16xf32>
      %add3A_191 = arith.addf %add3A_184, %exp3A_190 : vector<16xf32>
      %max3A_192 = arith.maximumf %max3A_185, %exp3A_190 : vector<16xf32>
      %add3A_193 = arith.constant 1 : i32
      %add3A_194 = vector.broadcast %add3A_193 : i32 to vector<16xi32>
      %add3A_195 = arith.addi %add3A_188, %add3A_194 : vector<16xi32>
      scf.yield %add3A_191, %max3A_192, %add3A_195 : vector<16xf32>, vector<16xf32>, vector<16xi32>
    }
    %scan3A_126 = arith.constant 125 : i32
    %add3A_127 = arith.addf %scan3A_125#0, %exp3A_114 : vector<16xf32>
    %get3A_128 = arith.constant 0 : index
    %get3A_129 = tpu.vector_load %arg8[%get3A_128] {strides = array<i32>} : memref<16xf32, #tpu.memory_space<vmem>>, vector<16xf32>,
    %sub3A_130 = arith.subf %scan3A_125#1, %exp3A_114 : vector<16xf32>
    %div3A_131 = arith.divf %sub3A_130, %add3A_127 : vector<16xf32>
    %add3A_132 = arith.addf %get3A_129, %div3A_131 : vector<16xf32>
    %swap3A_133 = arith.constant 0 : index
    %swap3A_134 = tpu.vector_load %arg8[%swap3A_133] {strides = array<i32>} : memref<16xf32, #tpu.memory_space<vmem>>, vector<16xf32>,
    tpu.vector_store %arg8[%swap3A_133], %add3A_132 {strides = array<i32>} : memref<16xf32, #tpu.memory_space<vmem>>, vector<16xf32>,
    %mul3A_135 = arith.constant 16 : i32
    %mul3A_136 = arith.muli %add3A, %mul3A_135 : i32
    "tpu.region"() ({
      %run_scoped3A = tpu.sem_alloc : memref<!tpu.dma_semaphore, #tpu.memory_space<semaphore_mem>>
      %dma_start3A_137 = tpu.memref_slice %arg4[%mul3A_136] : memref<512xf32, #tpu.memory_space<hbm>> -> memref<16xf32, #tpu.memory_space<hbm>>
      %dma_start3A_138 = tpu.memref_slice %arg4[%mul3A_136] : memref<512xf32, #tpu.memory_space<hbm>> -> memref<16xf32, #tpu.memory_space<hbm>>
      tpu.enqueue_dma source(%arg8 : memref<16xf32, #tpu.memory_space<vmem>>) target(%dma_start3A_138 : memref<16xf32, #tpu.memory_space<hbm>>) target_semaphore(%run_scoped3A : memref<!tpu.dma_semaphore, #tpu.memory_space<semaphore_mem>>)
      %dma_wait3A_139 = tpu.memref_slice %arg4[%mul3A_136] : memref<512xf32, #tpu.memory_space<hbm>> -> memref<16xf32, #tpu.memory_space<hbm>>
      %dma_wait3A_140 = tpu.memref_slice %arg4[%mul3A_136] : memref<512xf32, #tpu.memory_space<hbm>> -> memref<16xf32, #tpu.memory_space<hbm>>
      tpu.wait_dma2 semaphore(%run_scoped3A : memref<!tpu.dma_semaphore, #tpu.memory_space<semaphore_mem>>) src(%arg8 : memref<16xf32, #tpu.memory_space<vmem>>) dst(%dma_wait3A_140 : memref<16xf32, #tpu.memory_space<hbm>>)
      tpu.yield
    }) : () -> ()
    return
  }
}

module attributes {stable_mosaic.version = 14 : i64} {
  func.func @_tc_body(%arg0: i32, %arg1: memref<256x1000xf32, #tpu.memory_space<vmem>>, %arg2: memref<256x1000xf32, #tpu.memory_space<vmem>>, %arg3: memref<256x1000xf32, #tpu.memory_space<vmem>>, %arg4: memref<256x1000xf32, #tpu.memory_space<vmem>>, %arg5: memref<256x1000xf32, #tpu.memory_space<vmem>>, %arg6: memref<256x1000xf32, #tpu.memory_space<vmem>>, %arg7: memref<256x1000xf32, #tpu.memory_space<vmem>>, %arg8: memref<256x1000xf32, #tpu.memory_space<vmem>>, %arg9: memref<256x1xi32, #tpu.memory_space<vmem>>, %arg10: memref<256x1xi32, #tpu.memory_space<vmem>>, %arg11: memref<256x1xi32, #tpu.memory_space<vmem>>, %arg12: memref<256x1xi32, #tpu.memory_space<vmem>>, %arg13: memref<256x1xi32, #tpu.memory_space<vmem>>, %arg14: memref<256x1xi32, #tpu.memory_space<vmem>>, %arg15: memref<256x1xi32, #tpu.memory_space<vmem>>, %arg16: memref<256x1xi32, #tpu.memory_space<vmem>>, %arg17: memref<1x1xf32, #tpu.memory_space<vmem>>) attributes {dimension_semantics = [#tpu.dimension_semantics<arbitrary>], iteration_bounds = array<i64: 7>, scalar_prefetch = 0 : i64, scratch_operands = 0 : i64, tpu.core_type = #tpu.core_type<tc>, window_params = [{transform_indices = @transform_0, window_bounds = array<i64: 256, 1000>}, {transform_indices = @transform_1, window_bounds = array<i64: 256, 1000>}, {transform_indices = @transform_2, window_bounds = array<i64: 256, 1000>}, {transform_indices = @transform_3, window_bounds = array<i64: 256, 1000>}, {transform_indices = @transform_4, window_bounds = array<i64: 256, 1000>}, {transform_indices = @transform_5, window_bounds = array<i64: 256, 1000>}, {transform_indices = @transform_6, window_bounds = array<i64: 256, 1000>}, {transform_indices = @transform_7, window_bounds = array<i64: 256, 1000>}, {transform_indices = @transform_8, window_bounds = array<i64: 256, 1>}, {transform_indices = @transform_9, window_bounds = array<i64: 256, 1>}, {transform_indices = @transform_10, window_bounds = array<i64: 256, 1>}, {transform_indices = @transform_11, window_bounds = array<i64: 256, 1>}, {transform_indices = @transform_12, window_bounds = array<i64: 256, 1>}, {transform_indices = @transform_13, window_bounds = array<i64: 256, 1>}, {transform_indices = @transform_14, window_bounds = array<i64: 256, 1>}, {transform_indices = @transform_15, window_bounds = array<i64: 256, 1>}, {pipeline_mode = #tpu.pipeline_mode<synchronous>, transform_indices = @transform_16, window_bounds = array<i64: 1, 1>}]} {
    %broadcast_in_dim3A = arith.constant 0.000000e+00 : f32
    %broadcast_in_dim3A_0 = vector.broadcast %broadcast_in_dim3A : f32 to vector<1x1xf32>
    %get3A = arith.constant 0 : index
    %get3A_1 = arith.constant 0 : index
    %get3A_2 = vector.load %arg1[%get3A, %get3A_1] : memref<256x1000xf32, #tpu.memory_space<vmem>>, vector<256x1000xf32>
    %get3A_3 = arith.constant 0 : index
    %get3A_4 = arith.constant 0 : index
    %get3A_5 = vector.load %arg9[%get3A_3, %get3A_4] : memref<256x1xi32, #tpu.memory_space<vmem>>, vector<256x1xi32>
    %iota3A = tpu.iota {dimensions = array<i32: 1>} : vector<256x1000xi32>
    %eq3A = vector.broadcast %get3A_5 : vector<256x1xi32> to vector<256x1000xi32>
    %eq3A_6 = arith.cmpi eq, %iota3A, %eq3A : vector<256x1000xi32>
    %reduce_max3A = arith.constant dense<0xFF800000> : vector<256xf32>
    %reduce_max3A_7 = vector.multi_reduction <maximumf>, %get3A_2, %reduce_max3A [1] : vector<256x1000xf32> to vector<256xf32>
    %broadcast_in_dim3A_8 = vector.shape_cast %reduce_max3A_7 : vector<256xf32> to vector<256x1xf32>
    %jit3A = arith.constant 0xFF800000 : f32
    %broadcast_in_dim3A_9 = vector.broadcast %jit3A : f32 to vector<256x1000xf32>
    %select_n3A = arith.select %eq3A_6, %get3A_2, %broadcast_in_dim3A_9 : vector<256x1000xi1>, vector<256x1000xf32>
    %reduce_max3A_10 = arith.constant dense<0xFF800000> : vector<256xf32>
    %reduce_max3A_11 = vector.multi_reduction <maximumf>, %select_n3A, %reduce_max3A_10 [1] : vector<256x1000xf32> to vector<256xf32>
    %broadcast_in_dim3A_12 = vector.shape_cast %reduce_max3A_11 : vector<256xf32> to vector<256x1xf32>
    %jit3A_13 = arith.constant 0xFF800000 : f32
    %broadcast_in_dim3A_14 = vector.broadcast %jit3A_13 : f32 to vector<256x1000xf32>
    %select_n3A_15 = arith.select %eq3A_6, %broadcast_in_dim3A_14, %get3A_2 : vector<256x1000xi1>, vector<256x1000xf32>
    %reduce_max3A_16 = arith.constant dense<0xFF800000> : vector<256xf32>
    %reduce_max3A_17 = vector.multi_reduction <maximumf>, %select_n3A_15, %reduce_max3A_16 [1] : vector<256x1000xf32> to vector<256xf32>
    %broadcast_in_dim3A_18 = vector.shape_cast %reduce_max3A_17 : vector<256xf32> to vector<256x1xf32>
    %sub3A = vector.broadcast %broadcast_in_dim3A_8 : vector<256x1xf32> to vector<256x1000xf32>
    %sub3A_19 = arith.subf %get3A_2, %sub3A : vector<256x1000xf32>
    %exp3A = math.exp %sub3A_19 : vector<256x1000xf32>
    %reduce_sum3A = arith.constant dense<0.000000e+00> : vector<256xf32>
    %reduce_sum3A_20 = vector.multi_reduction <add>, %exp3A, %reduce_sum3A [1] : vector<256x1000xf32> to vector<256xf32>
    %broadcast_in_dim3A_21 = vector.shape_cast %reduce_sum3A_20 : vector<256xf32> to vector<256x1xf32>
    %sub3A_22 = arith.subf %broadcast_in_dim3A_18, %broadcast_in_dim3A_8 : vector<256x1xf32>
    %exp3A_23 = math.exp %sub3A_22 : vector<256x1xf32>
    %sub3A_24 = arith.subf %broadcast_in_dim3A_12, %broadcast_in_dim3A_8 : vector<256x1xf32>
    %exp3A_25 = math.exp %sub3A_24 : vector<256x1xf32>
    %sub3A_26 = arith.subf %exp3A_23, %exp3A_25 : vector<256x1xf32>
    %div3A = arith.divf %sub3A_26, %broadcast_in_dim3A_21 : vector<256x1xf32>
    %reduce_sum3A_27 = vector.shape_cast %div3A : vector<256x1xf32> to vector<1x256x1xf32>
    %reduce_sum3A_28 = arith.constant dense<0.000000e+00> : vector<1xf32>
    %reduce_sum3A_29 = vector.multi_reduction <add>, %reduce_sum3A_27, %reduce_sum3A_28 [1, 2] : vector<1x256x1xf32> to vector<1xf32>
    %reduce_sum3A_30 = vector.shape_cast %reduce_sum3A_29 : vector<1xf32> to vector<1x1x1xf32>
    %reduce_sum3A_31 = vector.extract %reduce_sum3A_30[0, 0, 0] : f32 from vector<1x1x1xf32>
    %reshape3A = vector.broadcast %reduce_sum3A_31 : f32 to vector<1x1xf32>
    %add3A = arith.addf %broadcast_in_dim3A_0, %reshape3A : vector<1x1xf32>
    %get3A_32 = arith.constant 0 : index
    %get3A_33 = arith.constant 0 : index
    %get3A_34 = vector.load %arg2[%get3A_32, %get3A_33] : memref<256x1000xf32, #tpu.memory_space<vmem>>, vector<256x1000xf32>
    %get3A_35 = arith.constant 0 : index
    %get3A_36 = arith.constant 0 : index
    %get3A_37 = vector.load %arg10[%get3A_35, %get3A_36] : memref<256x1xi32, #tpu.memory_space<vmem>>, vector<256x1xi32>
    %iota3A_38 = tpu.iota {dimensions = array<i32: 1>} : vector<256x1000xi32>
    %eq3A_39 = vector.broadcast %get3A_37 : vector<256x1xi32> to vector<256x1000xi32>
    %eq3A_40 = arith.cmpi eq, %iota3A_38, %eq3A_39 : vector<256x1000xi32>
    %reduce_max3A_41 = arith.constant dense<0xFF800000> : vector<256xf32>
    %reduce_max3A_42 = vector.multi_reduction <maximumf>, %get3A_34, %reduce_max3A_41 [1] : vector<256x1000xf32> to vector<256xf32>
    %broadcast_in_dim3A_43 = vector.shape_cast %reduce_max3A_42 : vector<256xf32> to vector<256x1xf32>
    %jit3A_44 = arith.constant 0xFF800000 : f32
    %broadcast_in_dim3A_45 = vector.broadcast %jit3A_44 : f32 to vector<256x1000xf32>
    %select_n3A_46 = arith.select %eq3A_40, %get3A_34, %broadcast_in_dim3A_45 : vector<256x1000xi1>, vector<256x1000xf32>
    %reduce_max3A_47 = arith.constant dense<0xFF800000> : vector<256xf32>
    %reduce_max3A_48 = vector.multi_reduction <maximumf>, %select_n3A_46, %reduce_max3A_47 [1] : vector<256x1000xf32> to vector<256xf32>
    %broadcast_in_dim3A_49 = vector.shape_cast %reduce_max3A_48 : vector<256xf32> to vector<256x1xf32>
    %jit3A_50 = arith.constant 0xFF800000 : f32
    %broadcast_in_dim3A_51 = vector.broadcast %jit3A_50 : f32 to vector<256x1000xf32>
    %select_n3A_52 = arith.select %eq3A_40, %broadcast_in_dim3A_51, %get3A_34 : vector<256x1000xi1>, vector<256x1000xf32>
    %reduce_max3A_53 = arith.constant dense<0xFF800000> : vector<256xf32>
    %reduce_max3A_54 = vector.multi_reduction <maximumf>, %select_n3A_52, %reduce_max3A_53 [1] : vector<256x1000xf32> to vector<256xf32>
    %broadcast_in_dim3A_55 = vector.shape_cast %reduce_max3A_54 : vector<256xf32> to vector<256x1xf32>
    %sub3A_56 = vector.broadcast %broadcast_in_dim3A_43 : vector<256x1xf32> to vector<256x1000xf32>
    %sub3A_57 = arith.subf %get3A_34, %sub3A_56 : vector<256x1000xf32>
    %exp3A_58 = math.exp %sub3A_57 : vector<256x1000xf32>
    %reduce_sum3A_59 = arith.constant dense<0.000000e+00> : vector<256xf32>
    %reduce_sum3A_60 = vector.multi_reduction <add>, %exp3A_58, %reduce_sum3A_59 [1] : vector<256x1000xf32> to vector<256xf32>
    %broadcast_in_dim3A_61 = vector.shape_cast %reduce_sum3A_60 : vector<256xf32> to vector<256x1xf32>
    %sub3A_62 = arith.subf %broadcast_in_dim3A_55, %broadcast_in_dim3A_43 : vector<256x1xf32>
    %exp3A_63 = math.exp %sub3A_62 : vector<256x1xf32>
    %sub3A_64 = arith.subf %broadcast_in_dim3A_49, %broadcast_in_dim3A_43 : vector<256x1xf32>
    %exp3A_65 = math.exp %sub3A_64 : vector<256x1xf32>
    %sub3A_66 = arith.subf %exp3A_63, %exp3A_65 : vector<256x1xf32>
    %div3A_67 = arith.divf %sub3A_66, %broadcast_in_dim3A_61 : vector<256x1xf32>
    %reduce_sum3A_68 = vector.shape_cast %div3A_67 : vector<256x1xf32> to vector<1x256x1xf32>
    %reduce_sum3A_69 = arith.constant dense<0.000000e+00> : vector<1xf32>
    %reduce_sum3A_70 = vector.multi_reduction <add>, %reduce_sum3A_68, %reduce_sum3A_69 [1, 2] : vector<1x256x1xf32> to vector<1xf32>
    %reduce_sum3A_71 = vector.shape_cast %reduce_sum3A_70 : vector<1xf32> to vector<1x1x1xf32>
    %reduce_sum3A_72 = vector.extract %reduce_sum3A_71[0, 0, 0] : f32 from vector<1x1x1xf32>
    %reshape3A_73 = vector.broadcast %reduce_sum3A_72 : f32 to vector<1x1xf32>
    %add3A_74 = arith.addf %add3A, %reshape3A_73 : vector<1x1xf32>
    %get3A_75 = arith.constant 0 : index
    %get3A_76 = arith.constant 0 : index
    %get3A_77 = vector.load %arg3[%get3A_75, %get3A_76] : memref<256x1000xf32, #tpu.memory_space<vmem>>, vector<256x1000xf32>
    %get3A_78 = arith.constant 0 : index
    %get3A_79 = arith.constant 0 : index
    %get3A_80 = vector.load %arg11[%get3A_78, %get3A_79] : memref<256x1xi32, #tpu.memory_space<vmem>>, vector<256x1xi32>
    %iota3A_81 = tpu.iota {dimensions = array<i32: 1>} : vector<256x1000xi32>
    %eq3A_82 = vector.broadcast %get3A_80 : vector<256x1xi32> to vector<256x1000xi32>
    %eq3A_83 = arith.cmpi eq, %iota3A_81, %eq3A_82 : vector<256x1000xi32>
    %reduce_max3A_84 = arith.constant dense<0xFF800000> : vector<256xf32>
    %reduce_max3A_85 = vector.multi_reduction <maximumf>, %get3A_77, %reduce_max3A_84 [1] : vector<256x1000xf32> to vector<256xf32>
    %broadcast_in_dim3A_86 = vector.shape_cast %reduce_max3A_85 : vector<256xf32> to vector<256x1xf32>
    %jit3A_87 = arith.constant 0xFF800000 : f32
    %broadcast_in_dim3A_88 = vector.broadcast %jit3A_87 : f32 to vector<256x1000xf32>
    %select_n3A_89 = arith.select %eq3A_83, %get3A_77, %broadcast_in_dim3A_88 : vector<256x1000xi1>, vector<256x1000xf32>
    %reduce_max3A_90 = arith.constant dense<0xFF800000> : vector<256xf32>
    %reduce_max3A_91 = vector.multi_reduction <maximumf>, %select_n3A_89, %reduce_max3A_90 [1] : vector<256x1000xf32> to vector<256xf32>
    %broadcast_in_dim3A_92 = vector.shape_cast %reduce_max3A_91 : vector<256xf32> to vector<256x1xf32>
    %jit3A_93 = arith.constant 0xFF800000 : f32
    %broadcast_in_dim3A_94 = vector.broadcast %jit3A_93 : f32 to vector<256x1000xf32>
    %select_n3A_95 = arith.select %eq3A_83, %broadcast_in_dim3A_94, %get3A_77 : vector<256x1000xi1>, vector<256x1000xf32>
    %reduce_max3A_96 = arith.constant dense<0xFF800000> : vector<256xf32>
    %reduce_max3A_97 = vector.multi_reduction <maximumf>, %select_n3A_95, %reduce_max3A_96 [1] : vector<256x1000xf32> to vector<256xf32>
    %broadcast_in_dim3A_98 = vector.shape_cast %reduce_max3A_97 : vector<256xf32> to vector<256x1xf32>
    %sub3A_99 = vector.broadcast %broadcast_in_dim3A_86 : vector<256x1xf32> to vector<256x1000xf32>
    %sub3A_100 = arith.subf %get3A_77, %sub3A_99 : vector<256x1000xf32>
    %exp3A_101 = math.exp %sub3A_100 : vector<256x1000xf32>
    %reduce_sum3A_102 = arith.constant dense<0.000000e+00> : vector<256xf32>
    %reduce_sum3A_103 = vector.multi_reduction <add>, %exp3A_101, %reduce_sum3A_102 [1] : vector<256x1000xf32> to vector<256xf32>
    %broadcast_in_dim3A_104 = vector.shape_cast %reduce_sum3A_103 : vector<256xf32> to vector<256x1xf32>
    %sub3A_105 = arith.subf %broadcast_in_dim3A_98, %broadcast_in_dim3A_86 : vector<256x1xf32>
    %exp3A_106 = math.exp %sub3A_105 : vector<256x1xf32>
    %sub3A_107 = arith.subf %broadcast_in_dim3A_92, %broadcast_in_dim3A_86 : vector<256x1xf32>
    %exp3A_108 = math.exp %sub3A_107 : vector<256x1xf32>
    %sub3A_109 = arith.subf %exp3A_106, %exp3A_108 : vector<256x1xf32>
    %div3A_110 = arith.divf %sub3A_109, %broadcast_in_dim3A_104 : vector<256x1xf32>
    %reduce_sum3A_111 = vector.shape_cast %div3A_110 : vector<256x1xf32> to vector<1x256x1xf32>
    %reduce_sum3A_112 = arith.constant dense<0.000000e+00> : vector<1xf32>
    %reduce_sum3A_113 = vector.multi_reduction <add>, %reduce_sum3A_111, %reduce_sum3A_112 [1, 2] : vector<1x256x1xf32> to vector<1xf32>
    %reduce_sum3A_114 = vector.shape_cast %reduce_sum3A_113 : vector<1xf32> to vector<1x1x1xf32>
    %reduce_sum3A_115 = vector.extract %reduce_sum3A_114[0, 0, 0] : f32 from vector<1x1x1xf32>
    %reshape3A_116 = vector.broadcast %reduce_sum3A_115 : f32 to vector<1x1xf32>
    %add3A_117 = arith.addf %add3A_74, %reshape3A_116 : vector<1x1xf32>
    %get3A_118 = arith.constant 0 : index
    %get3A_119 = arith.constant 0 : index
    %get3A_120 = vector.load %arg4[%get3A_118, %get3A_119] : memref<256x1000xf32, #tpu.memory_space<vmem>>, vector<256x1000xf32>
    %get3A_121 = arith.constant 0 : index
    %get3A_122 = arith.constant 0 : index
    %get3A_123 = vector.load %arg12[%get3A_121, %get3A_122] : memref<256x1xi32, #tpu.memory_space<vmem>>, vector<256x1xi32>
    %iota3A_124 = tpu.iota {dimensions = array<i32: 1>} : vector<256x1000xi32>
    %eq3A_125 = vector.broadcast %get3A_123 : vector<256x1xi32> to vector<256x1000xi32>
    %eq3A_126 = arith.cmpi eq, %iota3A_124, %eq3A_125 : vector<256x1000xi32>
    %reduce_max3A_127 = arith.constant dense<0xFF800000> : vector<256xf32>
    %reduce_max3A_128 = vector.multi_reduction <maximumf>, %get3A_120, %reduce_max3A_127 [1] : vector<256x1000xf32> to vector<256xf32>
    %broadcast_in_dim3A_129 = vector.shape_cast %reduce_max3A_128 : vector<256xf32> to vector<256x1xf32>
    %jit3A_130 = arith.constant 0xFF800000 : f32
    %broadcast_in_dim3A_131 = vector.broadcast %jit3A_130 : f32 to vector<256x1000xf32>
    %select_n3A_132 = arith.select %eq3A_126, %get3A_120, %broadcast_in_dim3A_131 : vector<256x1000xi1>, vector<256x1000xf32>
    %reduce_max3A_133 = arith.constant dense<0xFF800000> : vector<256xf32>
    %reduce_max3A_134 = vector.multi_reduction <maximumf>, %select_n3A_132, %reduce_max3A_133 [1] : vector<256x1000xf32> to vector<256xf32>
    %broadcast_in_dim3A_135 = vector.shape_cast %reduce_max3A_134 : vector<256xf32> to vector<256x1xf32>
    %jit3A_136 = arith.constant 0xFF800000 : f32
    %broadcast_in_dim3A_137 = vector.broadcast %jit3A_136 : f32 to vector<256x1000xf32>
    %select_n3A_138 = arith.select %eq3A_126, %broadcast_in_dim3A_137, %get3A_120 : vector<256x1000xi1>, vector<256x1000xf32>
    %reduce_max3A_139 = arith.constant dense<0xFF800000> : vector<256xf32>
    %reduce_max3A_140 = vector.multi_reduction <maximumf>, %select_n3A_138, %reduce_max3A_139 [1] : vector<256x1000xf32> to vector<256xf32>
    %broadcast_in_dim3A_141 = vector.shape_cast %reduce_max3A_140 : vector<256xf32> to vector<256x1xf32>
    %sub3A_142 = vector.broadcast %broadcast_in_dim3A_129 : vector<256x1xf32> to vector<256x1000xf32>
    %sub3A_143 = arith.subf %get3A_120, %sub3A_142 : vector<256x1000xf32>
    %exp3A_144 = math.exp %sub3A_143 : vector<256x1000xf32>
    %reduce_sum3A_145 = arith.constant dense<0.000000e+00> : vector<256xf32>
    %reduce_sum3A_146 = vector.multi_reduction <add>, %exp3A_144, %reduce_sum3A_145 [1] : vector<256x1000xf32> to vector<256xf32>
    %broadcast_in_dim3A_147 = vector.shape_cast %reduce_sum3A_146 : vector<256xf32> to vector<256x1xf32>
    %sub3A_148 = arith.subf %broadcast_in_dim3A_141, %broadcast_in_dim3A_129 : vector<256x1xf32>
    %exp3A_149 = math.exp %sub3A_148 : vector<256x1xf32>
    %sub3A_150 = arith.subf %broadcast_in_dim3A_135, %broadcast_in_dim3A_129 : vector<256x1xf32>
    %exp3A_151 = math.exp %sub3A_150 : vector<256x1xf32>
    %sub3A_152 = arith.subf %exp3A_149, %exp3A_151 : vector<256x1xf32>
    %div3A_153 = arith.divf %sub3A_152, %broadcast_in_dim3A_147 : vector<256x1xf32>
    %reduce_sum3A_154 = vector.shape_cast %div3A_153 : vector<256x1xf32> to vector<1x256x1xf32>
    %reduce_sum3A_155 = arith.constant dense<0.000000e+00> : vector<1xf32>
    %reduce_sum3A_156 = vector.multi_reduction <add>, %reduce_sum3A_154, %reduce_sum3A_155 [1, 2] : vector<1x256x1xf32> to vector<1xf32>
    %reduce_sum3A_157 = vector.shape_cast %reduce_sum3A_156 : vector<1xf32> to vector<1x1x1xf32>
    %reduce_sum3A_158 = vector.extract %reduce_sum3A_157[0, 0, 0] : f32 from vector<1x1x1xf32>
    %reshape3A_159 = vector.broadcast %reduce_sum3A_158 : f32 to vector<1x1xf32>
    %add3A_160 = arith.addf %add3A_117, %reshape3A_159 : vector<1x1xf32>
    %get3A_161 = arith.constant 0 : index
    %get3A_162 = arith.constant 0 : index
    %get3A_163 = vector.load %arg5[%get3A_161, %get3A_162] : memref<256x1000xf32, #tpu.memory_space<vmem>>, vector<256x1000xf32>
    %get3A_164 = arith.constant 0 : index
    %get3A_165 = arith.constant 0 : index
    %get3A_166 = vector.load %arg13[%get3A_164, %get3A_165] : memref<256x1xi32, #tpu.memory_space<vmem>>, vector<256x1xi32>
    %iota3A_167 = tpu.iota {dimensions = array<i32: 1>} : vector<256x1000xi32>
    %eq3A_168 = vector.broadcast %get3A_166 : vector<256x1xi32> to vector<256x1000xi32>
    %eq3A_169 = arith.cmpi eq, %iota3A_167, %eq3A_168 : vector<256x1000xi32>
    %reduce_max3A_170 = arith.constant dense<0xFF800000> : vector<256xf32>
    %reduce_max3A_171 = vector.multi_reduction <maximumf>, %get3A_163, %reduce_max3A_170 [1] : vector<256x1000xf32> to vector<256xf32>
    %broadcast_in_dim3A_172 = vector.shape_cast %reduce_max3A_171 : vector<256xf32> to vector<256x1xf32>
    %jit3A_173 = arith.constant 0xFF800000 : f32
    %broadcast_in_dim3A_174 = vector.broadcast %jit3A_173 : f32 to vector<256x1000xf32>
    %select_n3A_175 = arith.select %eq3A_169, %get3A_163, %broadcast_in_dim3A_174 : vector<256x1000xi1>, vector<256x1000xf32>
    %reduce_max3A_176 = arith.constant dense<0xFF800000> : vector<256xf32>
    %reduce_max3A_177 = vector.multi_reduction <maximumf>, %select_n3A_175, %reduce_max3A_176 [1] : vector<256x1000xf32> to vector<256xf32>
    %broadcast_in_dim3A_178 = vector.shape_cast %reduce_max3A_177 : vector<256xf32> to vector<256x1xf32>
    %jit3A_179 = arith.constant 0xFF800000 : f32
    %broadcast_in_dim3A_180 = vector.broadcast %jit3A_179 : f32 to vector<256x1000xf32>
    %select_n3A_181 = arith.select %eq3A_169, %broadcast_in_dim3A_180, %get3A_163 : vector<256x1000xi1>, vector<256x1000xf32>
    %reduce_max3A_182 = arith.constant dense<0xFF800000> : vector<256xf32>
    %reduce_max3A_183 = vector.multi_reduction <maximumf>, %select_n3A_181, %reduce_max3A_182 [1] : vector<256x1000xf32> to vector<256xf32>
    %broadcast_in_dim3A_184 = vector.shape_cast %reduce_max3A_183 : vector<256xf32> to vector<256x1xf32>
    %sub3A_185 = vector.broadcast %broadcast_in_dim3A_172 : vector<256x1xf32> to vector<256x1000xf32>
    %sub3A_186 = arith.subf %get3A_163, %sub3A_185 : vector<256x1000xf32>
    %exp3A_187 = math.exp %sub3A_186 : vector<256x1000xf32>
    %reduce_sum3A_188 = arith.constant dense<0.000000e+00> : vector<256xf32>
    %reduce_sum3A_189 = vector.multi_reduction <add>, %exp3A_187, %reduce_sum3A_188 [1] : vector<256x1000xf32> to vector<256xf32>
    %broadcast_in_dim3A_190 = vector.shape_cast %reduce_sum3A_189 : vector<256xf32> to vector<256x1xf32>
    %sub3A_191 = arith.subf %broadcast_in_dim3A_184, %broadcast_in_dim3A_172 : vector<256x1xf32>
    %exp3A_192 = math.exp %sub3A_191 : vector<256x1xf32>
    %sub3A_193 = arith.subf %broadcast_in_dim3A_178, %broadcast_in_dim3A_172 : vector<256x1xf32>
    %exp3A_194 = math.exp %sub3A_193 : vector<256x1xf32>
    %sub3A_195 = arith.subf %exp3A_192, %exp3A_194 : vector<256x1xf32>
    %div3A_196 = arith.divf %sub3A_195, %broadcast_in_dim3A_190 : vector<256x1xf32>
    %reduce_sum3A_197 = vector.shape_cast %div3A_196 : vector<256x1xf32> to vector<1x256x1xf32>
    %reduce_sum3A_198 = arith.constant dense<0.000000e+00> : vector<1xf32>
    %reduce_sum3A_199 = vector.multi_reduction <add>, %reduce_sum3A_197, %reduce_sum3A_198 [1, 2] : vector<1x256x1xf32> to vector<1xf32>
    %reduce_sum3A_200 = vector.shape_cast %reduce_sum3A_199 : vector<1xf32> to vector<1x1x1xf32>
    %reduce_sum3A_201 = vector.extract %reduce_sum3A_200[0, 0, 0] : f32 from vector<1x1x1xf32>
    %reshape3A_202 = vector.broadcast %reduce_sum3A_201 : f32 to vector<1x1xf32>
    %add3A_203 = arith.addf %add3A_160, %reshape3A_202 : vector<1x1xf32>
    %get3A_204 = arith.constant 0 : index
    %get3A_205 = arith.constant 0 : index
    %get3A_206 = vector.load %arg6[%get3A_204, %get3A_205] : memref<256x1000xf32, #tpu.memory_space<vmem>>, vector<256x1000xf32>
    %get3A_207 = arith.constant 0 : index
    %get3A_208 = arith.constant 0 : index
    %get3A_209 = vector.load %arg14[%get3A_207, %get3A_208] : memref<256x1xi32, #tpu.memory_space<vmem>>, vector<256x1xi32>
    %iota3A_210 = tpu.iota {dimensions = array<i32: 1>} : vector<256x1000xi32>
    %eq3A_211 = vector.broadcast %get3A_209 : vector<256x1xi32> to vector<256x1000xi32>
    %eq3A_212 = arith.cmpi eq, %iota3A_210, %eq3A_211 : vector<256x1000xi32>
    %reduce_max3A_213 = arith.constant dense<0xFF800000> : vector<256xf32>
    %reduce_max3A_214 = vector.multi_reduction <maximumf>, %get3A_206, %reduce_max3A_213 [1] : vector<256x1000xf32> to vector<256xf32>
    %broadcast_in_dim3A_215 = vector.shape_cast %reduce_max3A_214 : vector<256xf32> to vector<256x1xf32>
    %jit3A_216 = arith.constant 0xFF800000 : f32
    %broadcast_in_dim3A_217 = vector.broadcast %jit3A_216 : f32 to vector<256x1000xf32>
    %select_n3A_218 = arith.select %eq3A_212, %get3A_206, %broadcast_in_dim3A_217 : vector<256x1000xi1>, vector<256x1000xf32>
    %reduce_max3A_219 = arith.constant dense<0xFF800000> : vector<256xf32>
    %reduce_max3A_220 = vector.multi_reduction <maximumf>, %select_n3A_218, %reduce_max3A_219 [1] : vector<256x1000xf32> to vector<256xf32>
    %broadcast_in_dim3A_221 = vector.shape_cast %reduce_max3A_220 : vector<256xf32> to vector<256x1xf32>
    %jit3A_222 = arith.constant 0xFF800000 : f32
    %broadcast_in_dim3A_223 = vector.broadcast %jit3A_222 : f32 to vector<256x1000xf32>
    %select_n3A_224 = arith.select %eq3A_212, %broadcast_in_dim3A_223, %get3A_206 : vector<256x1000xi1>, vector<256x1000xf32>
    %reduce_max3A_225 = arith.constant dense<0xFF800000> : vector<256xf32>
    %reduce_max3A_226 = vector.multi_reduction <maximumf>, %select_n3A_224, %reduce_max3A_225 [1] : vector<256x1000xf32> to vector<256xf32>
    %broadcast_in_dim3A_227 = vector.shape_cast %reduce_max3A_226 : vector<256xf32> to vector<256x1xf32>
    %sub3A_228 = vector.broadcast %broadcast_in_dim3A_215 : vector<256x1xf32> to vector<256x1000xf32>
    %sub3A_229 = arith.subf %get3A_206, %sub3A_228 : vector<256x1000xf32>
    %exp3A_230 = math.exp %sub3A_229 : vector<256x1000xf32>
    %reduce_sum3A_231 = arith.constant dense<0.000000e+00> : vector<256xf32>
    %reduce_sum3A_232 = vector.multi_reduction <add>, %exp3A_230, %reduce_sum3A_231 [1] : vector<256x1000xf32> to vector<256xf32>
    %broadcast_in_dim3A_233 = vector.shape_cast %reduce_sum3A_232 : vector<256xf32> to vector<256x1xf32>
    %sub3A_234 = arith.subf %broadcast_in_dim3A_227, %broadcast_in_dim3A_215 : vector<256x1xf32>
    %exp3A_235 = math.exp %sub3A_234 : vector<256x1xf32>
    %sub3A_236 = arith.subf %broadcast_in_dim3A_221, %broadcast_in_dim3A_215 : vector<256x1xf32>
    %exp3A_237 = math.exp %sub3A_236 : vector<256x1xf32>
    %sub3A_238 = arith.subf %exp3A_235, %exp3A_237 : vector<256x1xf32>
    %div3A_239 = arith.divf %sub3A_238, %broadcast_in_dim3A_233 : vector<256x1xf32>
    %reduce_sum3A_240 = vector.shape_cast %div3A_239 : vector<256x1xf32> to vector<1x256x1xf32>
    %reduce_sum3A_241 = arith.constant dense<0.000000e+00> : vector<1xf32>
    %reduce_sum3A_242 = vector.multi_reduction <add>, %reduce_sum3A_240, %reduce_sum3A_241 [1, 2] : vector<1x256x1xf32> to vector<1xf32>
    %reduce_sum3A_243 = vector.shape_cast %reduce_sum3A_242 : vector<1xf32> to vector<1x1x1xf32>
    %reduce_sum3A_244 = vector.extract %reduce_sum3A_243[0, 0, 0] : f32 from vector<1x1x1xf32>
    %reshape3A_245 = vector.broadcast %reduce_sum3A_244 : f32 to vector<1x1xf32>
    %add3A_246 = arith.addf %add3A_203, %reshape3A_245 : vector<1x1xf32>
    %get3A_247 = arith.constant 0 : index
    %get3A_248 = arith.constant 0 : index
    %get3A_249 = vector.load %arg7[%get3A_247, %get3A_248] : memref<256x1000xf32, #tpu.memory_space<vmem>>, vector<256x1000xf32>
    %get3A_250 = arith.constant 0 : index
    %get3A_251 = arith.constant 0 : index
    %get3A_252 = vector.load %arg15[%get3A_250, %get3A_251] : memref<256x1xi32, #tpu.memory_space<vmem>>, vector<256x1xi32>
    %iota3A_253 = tpu.iota {dimensions = array<i32: 1>} : vector<256x1000xi32>
    %eq3A_254 = vector.broadcast %get3A_252 : vector<256x1xi32> to vector<256x1000xi32>
    %eq3A_255 = arith.cmpi eq, %iota3A_253, %eq3A_254 : vector<256x1000xi32>
    %reduce_max3A_256 = arith.constant dense<0xFF800000> : vector<256xf32>
    %reduce_max3A_257 = vector.multi_reduction <maximumf>, %get3A_249, %reduce_max3A_256 [1] : vector<256x1000xf32> to vector<256xf32>
    %broadcast_in_dim3A_258 = vector.shape_cast %reduce_max3A_257 : vector<256xf32> to vector<256x1xf32>
    %jit3A_259 = arith.constant 0xFF800000 : f32
    %broadcast_in_dim3A_260 = vector.broadcast %jit3A_259 : f32 to vector<256x1000xf32>
    %select_n3A_261 = arith.select %eq3A_255, %get3A_249, %broadcast_in_dim3A_260 : vector<256x1000xi1>, vector<256x1000xf32>
    %reduce_max3A_262 = arith.constant dense<0xFF800000> : vector<256xf32>
    %reduce_max3A_263 = vector.multi_reduction <maximumf>, %select_n3A_261, %reduce_max3A_262 [1] : vector<256x1000xf32> to vector<256xf32>
    %broadcast_in_dim3A_264 = vector.shape_cast %reduce_max3A_263 : vector<256xf32> to vector<256x1xf32>
    %jit3A_265 = arith.constant 0xFF800000 : f32
    %broadcast_in_dim3A_266 = vector.broadcast %jit3A_265 : f32 to vector<256x1000xf32>
    %select_n3A_267 = arith.select %eq3A_255, %broadcast_in_dim3A_266, %get3A_249 : vector<256x1000xi1>, vector<256x1000xf32>
    %reduce_max3A_268 = arith.constant dense<0xFF800000> : vector<256xf32>
    %reduce_max3A_269 = vector.multi_reduction <maximumf>, %select_n3A_267, %reduce_max3A_268 [1] : vector<256x1000xf32> to vector<256xf32>
    %broadcast_in_dim3A_270 = vector.shape_cast %reduce_max3A_269 : vector<256xf32> to vector<256x1xf32>
    %sub3A_271 = vector.broadcast %broadcast_in_dim3A_258 : vector<256x1xf32> to vector<256x1000xf32>
    %sub3A_272 = arith.subf %get3A_249, %sub3A_271 : vector<256x1000xf32>
    %exp3A_273 = math.exp %sub3A_272 : vector<256x1000xf32>
    %reduce_sum3A_274 = arith.constant dense<0.000000e+00> : vector<256xf32>
    %reduce_sum3A_275 = vector.multi_reduction <add>, %exp3A_273, %reduce_sum3A_274 [1] : vector<256x1000xf32> to vector<256xf32>
    %broadcast_in_dim3A_276 = vector.shape_cast %reduce_sum3A_275 : vector<256xf32> to vector<256x1xf32>
    %sub3A_277 = arith.subf %broadcast_in_dim3A_270, %broadcast_in_dim3A_258 : vector<256x1xf32>
    %exp3A_278 = math.exp %sub3A_277 : vector<256x1xf32>
    %sub3A_279 = arith.subf %broadcast_in_dim3A_264, %broadcast_in_dim3A_258 : vector<256x1xf32>
    %exp3A_280 = math.exp %sub3A_279 : vector<256x1xf32>
    %sub3A_281 = arith.subf %exp3A_278, %exp3A_280 : vector<256x1xf32>
    %div3A_282 = arith.divf %sub3A_281, %broadcast_in_dim3A_276 : vector<256x1xf32>
    %reduce_sum3A_283 = vector.shape_cast %div3A_282 : vector<256x1xf32> to vector<1x256x1xf32>
    %reduce_sum3A_284 = arith.constant dense<0.000000e+00> : vector<1xf32>
    %reduce_sum3A_285 = vector.multi_reduction <add>, %reduce_sum3A_283, %reduce_sum3A_284 [1, 2] : vector<1x256x1xf32> to vector<1xf32>
    %reduce_sum3A_286 = vector.shape_cast %reduce_sum3A_285 : vector<1xf32> to vector<1x1x1xf32>
    %reduce_sum3A_287 = vector.extract %reduce_sum3A_286[0, 0, 0] : f32 from vector<1x1x1xf32>
    %reshape3A_288 = vector.broadcast %reduce_sum3A_287 : f32 to vector<1x1xf32>
    %add3A_289 = arith.addf %add3A_246, %reshape3A_288 : vector<1x1xf32>
    %get3A_290 = arith.constant 0 : index
    %get3A_291 = arith.constant 0 : index
    %get3A_292 = vector.load %arg8[%get3A_290, %get3A_291] : memref<256x1000xf32, #tpu.memory_space<vmem>>, vector<256x1000xf32>
    %get3A_293 = arith.constant 0 : index
    %get3A_294 = arith.constant 0 : index
    %get3A_295 = vector.load %arg16[%get3A_293, %get3A_294] : memref<256x1xi32, #tpu.memory_space<vmem>>, vector<256x1xi32>
    %iota3A_296 = tpu.iota {dimensions = array<i32: 1>} : vector<256x1000xi32>
    %eq3A_297 = vector.broadcast %get3A_295 : vector<256x1xi32> to vector<256x1000xi32>
    %eq3A_298 = arith.cmpi eq, %iota3A_296, %eq3A_297 : vector<256x1000xi32>
    %reduce_max3A_299 = arith.constant dense<0xFF800000> : vector<256xf32>
    %reduce_max3A_300 = vector.multi_reduction <maximumf>, %get3A_292, %reduce_max3A_299 [1] : vector<256x1000xf32> to vector<256xf32>
    %broadcast_in_dim3A_301 = vector.shape_cast %reduce_max3A_300 : vector<256xf32> to vector<256x1xf32>
    %jit3A_302 = arith.constant 0xFF800000 : f32
    %broadcast_in_dim3A_303 = vector.broadcast %jit3A_302 : f32 to vector<256x1000xf32>
    %select_n3A_304 = arith.select %eq3A_298, %get3A_292, %broadcast_in_dim3A_303 : vector<256x1000xi1>, vector<256x1000xf32>
    %reduce_max3A_305 = arith.constant dense<0xFF800000> : vector<256xf32>
    %reduce_max3A_306 = vector.multi_reduction <maximumf>, %select_n3A_304, %reduce_max3A_305 [1] : vector<256x1000xf32> to vector<256xf32>
    %broadcast_in_dim3A_307 = vector.shape_cast %reduce_max3A_306 : vector<256xf32> to vector<256x1xf32>
    %jit3A_308 = arith.constant 0xFF800000 : f32
    %broadcast_in_dim3A_309 = vector.broadcast %jit3A_308 : f32 to vector<256x1000xf32>
    %select_n3A_310 = arith.select %eq3A_298, %broadcast_in_dim3A_309, %get3A_292 : vector<256x1000xi1>, vector<256x1000xf32>
    %reduce_max3A_311 = arith.constant dense<0xFF800000> : vector<256xf32>
    %reduce_max3A_312 = vector.multi_reduction <maximumf>, %select_n3A_310, %reduce_max3A_311 [1] : vector<256x1000xf32> to vector<256xf32>
    %broadcast_in_dim3A_313 = vector.shape_cast %reduce_max3A_312 : vector<256xf32> to vector<256x1xf32>
    %sub3A_314 = vector.broadcast %broadcast_in_dim3A_301 : vector<256x1xf32> to vector<256x1000xf32>
    %sub3A_315 = arith.subf %get3A_292, %sub3A_314 : vector<256x1000xf32>
    %exp3A_316 = math.exp %sub3A_315 : vector<256x1000xf32>
    %reduce_sum3A_317 = arith.constant dense<0.000000e+00> : vector<256xf32>
    %reduce_sum3A_318 = vector.multi_reduction <add>, %exp3A_316, %reduce_sum3A_317 [1] : vector<256x1000xf32> to vector<256xf32>
    %broadcast_in_dim3A_319 = vector.shape_cast %reduce_sum3A_318 : vector<256xf32> to vector<256x1xf32>
    %sub3A_320 = arith.subf %broadcast_in_dim3A_313, %broadcast_in_dim3A_301 : vector<256x1xf32>
    %exp3A_321 = math.exp %sub3A_320 : vector<256x1xf32>
    %sub3A_322 = arith.subf %broadcast_in_dim3A_307, %broadcast_in_dim3A_301 : vector<256x1xf32>
    %exp3A_323 = math.exp %sub3A_322 : vector<256x1xf32>
    %sub3A_324 = arith.subf %exp3A_321, %exp3A_323 : vector<256x1xf32>
    %div3A_325 = arith.divf %sub3A_324, %broadcast_in_dim3A_319 : vector<256x1xf32>
    %reduce_sum3A_326 = vector.shape_cast %div3A_325 : vector<256x1xf32> to vector<1x256x1xf32>
    %reduce_sum3A_327 = arith.constant dense<0.000000e+00> : vector<1xf32>
    %reduce_sum3A_328 = vector.multi_reduction <add>, %reduce_sum3A_326, %reduce_sum3A_327 [1, 2] : vector<1x256x1xf32> to vector<1xf32>
    %reduce_sum3A_329 = vector.shape_cast %reduce_sum3A_328 : vector<1xf32> to vector<1x1x1xf32>
    %reduce_sum3A_330 = vector.extract %reduce_sum3A_329[0, 0, 0] : f32 from vector<1x1x1xf32>
    %reshape3A_331 = vector.broadcast %reduce_sum3A_330 : f32 to vector<1x1xf32>
    %add3A_332 = arith.addf %add3A_289, %reshape3A_331 : vector<1x1xf32>
    %eq3A_333 = arith.constant 0 : i32
    %eq3A_334 = arith.cmpi eq, %arg0, %eq3A_333 : i32
    %broadcast_in_dim3A_335 = arith.constant 0.000000e+00 : f32
    %broadcast_in_dim3A_336 = vector.broadcast %broadcast_in_dim3A_335 : f32 to vector<1x1xf32>
    %get3A_337 = arith.constant 0 : index
    %get3A_338 = arith.constant 0 : index
    %get3A_339 = vector.load %arg17[%get3A_337, %get3A_338] : memref<1x1xf32, #tpu.memory_space<vmem>>, vector<1x1xf32>
    %select_n3A_340 = arith.select %eq3A_334, %broadcast_in_dim3A_336, %get3A_339 : vector<1x1xf32>
    %add3A_341 = arith.addf %select_n3A_340, %add3A_332 : vector<1x1xf32>
    %swap3A = arith.constant 0 : index
    %swap3A_342 = arith.constant 0 : index
    %swap3A_343 = vector.load %arg17[%swap3A, %swap3A_342] : memref<1x1xf32, #tpu.memory_space<vmem>>, vector<1x1xf32>
    tpu.vector_store %arg17[%swap3A, %swap3A_342], %add3A_341 {strides = array<i32>} : memref<1x1xf32, #tpu.memory_space<vmem>>, vector<1x1xf32>,
    return
  }
  func.func @transform_0(%arg0: i32) -> (i32, i32) {
    %add3A = arith.constant 0 : i32
    %add3A_0 = arith.addi %arg0, %add3A : i32
    %c0_i32 = arith.constant 0 : i32
    %c0_i32_1 = arith.constant 0 : i32
    return %add3A_0, %c0_i32 : i32, i32
  }
  func.func @transform_1(%arg0: i32) -> (i32, i32) {
    %add3A = arith.constant 7 : i32
    %add3A_0 = arith.addi %arg0, %add3A : i32
    %c0_i32 = arith.constant 0 : i32
    %c0_i32_1 = arith.constant 0 : i32
    return %add3A_0, %c0_i32 : i32, i32
  }
  func.func @transform_2(%arg0: i32) -> (i32, i32) {
    %add3A = arith.constant 14 : i32
    %add3A_0 = arith.addi %arg0, %add3A : i32
    %c0_i32 = arith.constant 0 : i32
    %c0_i32_1 = arith.constant 0 : i32
    return %add3A_0, %c0_i32 : i32, i32
  }
  func.func @transform_3(%arg0: i32) -> (i32, i32) {
    %add3A = arith.constant 21 : i32
    %add3A_0 = arith.addi %arg0, %add3A : i32
    %c0_i32 = arith.constant 0 : i32
    %c0_i32_1 = arith.constant 0 : i32
    return %add3A_0, %c0_i32 : i32, i32
  }
  func.func @transform_4(%arg0: i32) -> (i32, i32) {
    %add3A = arith.constant 28 : i32
    %add3A_0 = arith.addi %arg0, %add3A : i32
    %c0_i32 = arith.constant 0 : i32
    %c0_i32_1 = arith.constant 0 : i32
    return %add3A_0, %c0_i32 : i32, i32
  }
  func.func @transform_5(%arg0: i32) -> (i32, i32) {
    %add3A = arith.constant 35 : i32
    %add3A_0 = arith.addi %arg0, %add3A : i32
    %c0_i32 = arith.constant 0 : i32
    %c0_i32_1 = arith.constant 0 : i32
    return %add3A_0, %c0_i32 : i32, i32
  }
  func.func @transform_6(%arg0: i32) -> (i32, i32) {
    %add3A = arith.constant 42 : i32
    %add3A_0 = arith.addi %arg0, %add3A : i32
    %c0_i32 = arith.constant 0 : i32
    %c0_i32_1 = arith.constant 0 : i32
    return %add3A_0, %c0_i32 : i32, i32
  }
  func.func @transform_7(%arg0: i32) -> (i32, i32) {
    %add3A = arith.constant 49 : i32
    %add3A_0 = arith.addi %arg0, %add3A : i32
    %c0_i32 = arith.constant 0 : i32
    %c0_i32_1 = arith.constant 0 : i32
    return %add3A_0, %c0_i32 : i32, i32
  }
  func.func @transform_8(%arg0: i32) -> (i32, i32) {
    %add3A = arith.constant 0 : i32
    %add3A_0 = arith.addi %arg0, %add3A : i32
    %c0_i32 = arith.constant 0 : i32
    %c0_i32_1 = arith.constant 0 : i32
    return %add3A_0, %c0_i32 : i32, i32
  }
  func.func @transform_9(%arg0: i32) -> (i32, i32) {
    %add3A = arith.constant 7 : i32
    %add3A_0 = arith.addi %arg0, %add3A : i32
    %c0_i32 = arith.constant 0 : i32
    %c0_i32_1 = arith.constant 0 : i32
    return %add3A_0, %c0_i32 : i32, i32
  }
  func.func @transform_10(%arg0: i32) -> (i32, i32) {
    %add3A = arith.constant 14 : i32
    %add3A_0 = arith.addi %arg0, %add3A : i32
    %c0_i32 = arith.constant 0 : i32
    %c0_i32_1 = arith.constant 0 : i32
    return %add3A_0, %c0_i32 : i32, i32
  }
  func.func @transform_11(%arg0: i32) -> (i32, i32) {
    %add3A = arith.constant 21 : i32
    %add3A_0 = arith.addi %arg0, %add3A : i32
    %c0_i32 = arith.constant 0 : i32
    %c0_i32_1 = arith.constant 0 : i32
    return %add3A_0, %c0_i32 : i32, i32
  }
  func.func @transform_12(%arg0: i32) -> (i32, i32) {
    %add3A = arith.constant 28 : i32
    %add3A_0 = arith.addi %arg0, %add3A : i32
    %c0_i32 = arith.constant 0 : i32
    %c0_i32_1 = arith.constant 0 : i32
    return %add3A_0, %c0_i32 : i32, i32
  }
  func.func @transform_13(%arg0: i32) -> (i32, i32) {
    %add3A = arith.constant 35 : i32
    %add3A_0 = arith.addi %arg0, %add3A : i32
    %c0_i32 = arith.constant 0 : i32
    %c0_i32_1 = arith.constant 0 : i32
    return %add3A_0, %c0_i32 : i32, i32
  }
  func.func @transform_14(%arg0: i32) -> (i32, i32) {
    %add3A = arith.constant 42 : i32
    %add3A_0 = arith.addi %arg0, %add3A : i32
    %c0_i32 = arith.constant 0 : i32
    %c0_i32_1 = arith.constant 0 : i32
    return %add3A_0, %c0_i32 : i32, i32
  }
  func.func @transform_15(%arg0: i32) -> (i32, i32) {
    %add3A = arith.constant 49 : i32
    %add3A_0 = arith.addi %arg0, %add3A : i32
    %c0_i32 = arith.constant 0 : i32
    %c0_i32_1 = arith.constant 0 : i32
    return %add3A_0, %c0_i32 : i32, i32
  }
  func.func @transform_16(%arg0: i32) -> (i32, i32) {
    %c0_i32 = arith.constant 0 : i32
    %c0_i32_0 = arith.constant 0 : i32
    %c0_i32_1 = arith.constant 0 : i32
    return %c0_i32, %c0_i32_0 : i32, i32
  }
}

module attributes {stable_mosaic.version = 14 : i64} {
  func.func @_combine_body(%arg0: memref<1x1xf32, #tpu.memory_space<vmem>>, %arg1: memref<32x16xf32, #tpu.memory_space<vmem>>, %arg2: memref<1x1xf32, #tpu.memory_space<vmem>>) attributes {dimension_semantics = [], scalar_prefetch = 0 : i64, scratch_operands = 0 : i64, tpu.core_type = #tpu.core_type<tc>} {
    %get3A = arith.constant 0 : index
    %get3A_0 = arith.constant 0 : index
    %get3A_1 = vector.load %arg0[%get3A, %get3A_0] : memref<1x1xf32, #tpu.memory_space<vmem>>, vector<1x1xf32>
    %get3A_2 = vector.extract %get3A_1[0, 0] : f32 from vector<1x1xf32>
    %get3A_3 = arith.constant 0 : index
    %get3A_4 = arith.constant 0 : index
    %get3A_5 = vector.load %arg1[%get3A_3, %get3A_4] : memref<32x16xf32, #tpu.memory_space<vmem>>, vector<32x16xf32>
    %reduce_sum3A = vector.shape_cast %get3A_5 : vector<32x16xf32> to vector<1x32x16xf32>
    %reduce_sum3A_6 = arith.constant dense<0.000000e+00> : vector<1xf32>
    %reduce_sum3A_7 = vector.multi_reduction <add>, %reduce_sum3A, %reduce_sum3A_6 [1, 2] : vector<1x32x16xf32> to vector<1xf32>
    %reduce_sum3A_8 = vector.shape_cast %reduce_sum3A_7 : vector<1xf32> to vector<1x1x1xf32>
    %reduce_sum3A_9 = vector.extract %reduce_sum3A_8[0, 0, 0] : f32 from vector<1x1x1xf32>
    %add3A = arith.addf %get3A_2, %reduce_sum3A_9 : f32
    %div3A = arith.constant 1.638400e+04 : f32
    %div3A_10 = arith.divf %add3A, %div3A : f32
    %reshape3A = vector.broadcast %div3A_10 : f32 to vector<1x1xf32>
    %swap3A = arith.constant 0 : index
    %swap3A_11 = arith.constant 0 : index
    %swap3A_12 = vector.load %arg2[%swap3A, %swap3A_11] : memref<1x1xf32, #tpu.memory_space<vmem>>, vector<1x1xf32>
    tpu.vector_store %arg2[%swap3A, %swap3A_11], %reshape3A {strides = array<i32>} : memref<1x1xf32, #tpu.memory_space<vmem>>, vector<1x1xf32>,
    return
  }
}

</mosaic_0001>

<sc_bundles>
// kernel: kernel.5.cloned.1.call-start
scs
__scs_entry_jumppad:
0x0: {  	(pc) =	sbr.rel $0x88, $3  }
0x1: {  	(tag) =	ssettag $0x0;
	lr =	simm.s32 $0x1  }
0x2: {  	[smem:$0x3F9F] =	sst lr;
	_ =	strace $0xD0000000  }
0x3: {  	_ = 	snop  }
0x4: {  	_ = 	snop  }
0x5: {  	_ = 	snop  }
0x6: {  	_ = 	snop  }
0x7: {  	_ = 	snop  }
__scs_overlays_trampoline_lowered:
0x8: {  	[smem:$0x3FAE] =	sst s0  }
0x9: {  	[smem:$0x3FAF] =	sst s1  }
0xa: {  	[smem:$0x3FB0] =	sst s2  }
0xb: {  	[smem:$0x3FB1] =	sst s3  }
0xc: {  	[smem:$0x3FB2] =	sst s4  }
0xd: {  	[smem:$0x3FB3] =	sst s5  }
0xe: {  	[smem:$0x3FB4] =	sst s6  }
0xf: {  	[smem:$0x3FB5] =	sst s7  }
0x10: {  	[smem:$0x3FB6] =	sst s8  }
0x11: {  	[smem:$0x3FB7] =	sst s9;
	s0 =	simm.s32 @!p0 $0x0  }
0x12: {  	s1 =	sld [smem:$0x3F9D];
	s0 =	simm.s32 @p0 $0x1  }
0x13: {  	[smem:$0x3FB8] =	sst s0;
	s0 =	simm.s32 @!p1 $0x0  }
0x14: {  	s2 =	sld [smem:$0x3F9C];
	s0 =	simm.s32 @p1 $0x1  }
0x15: {  	[smem:$0x3FB9] =	sst s0;
	s0 =	simm.s32 @!p2 $0x0  }
0x16: {  	s3 =	sld [smem:$0x3FDB];
	s0 =	simm.s32 @p2 $0x1  }
0x17: {  	s4 =	simm.s32 $0x1BF5;
	[smem:$0x3FBB] =	sst s0  }
0x18: {  	s0 =	sld [smem:$0x3F9E];
	_ =	swait.ge [sflag:s4], $0x0  }
0x19: {  	s7 =	sld [smem:$0x3F9F]  }
0x1a: {  	s8 =	sadd.s32 $0xFFFFE003, lr  }
0x1b: {  	s9 =	sadd.s32 $0xFFFFFEF7, lr;
	s5 =	simm.s32 $0xFFFFFFFF;
	p2 =	slt.u32 s8, $0xFFFFF086  }
0x1c: {  	p1 =	slt.u32 s9, $0xF7A;
	s5 =	simm.s32 @!p2 $0x0  }
0x1d: {  	s5 =	simm.s32 @p1 $0x1;
	p0 =	seq.s32 s7, s2  }
0x1e: {  	s7 =	smul.u32 @!p0 $0xF7A, s2;
	p2 =	seq.s32 @!p0 s5, $0x0  }
0x1f: {  	s9 =	smul.u32 $0xF7A, s1;
	s8 =	simm.s32 @!p0 $0x1BF5;
	p2 =	por !p2, p0  }
0x20: {  	[sflag:s8] =	ssyncset.s32 @!p0 $0xFFFFF086;
	s6 =	sadd.s32 @!p0 s3, s7;
	s7 =	simm.s32 @!p0 $0x108  }
0x21: {  	s3 =	sadd.s32 s3, s9;
	s6 =	sadd.s32 @!p0 $0x88, s6;
	s7 =	simm.s32 @p2 $0x1082  }
0x22: {  	[simem:s7], [sflag:s8] =	dma.local @!p0 [hbm:s6], $0xF7A  }
0x23: {  	s9 =	sor.u32 $0xD0000000, s2;
	s6 =	simm.s32 $0x108;
	_ =	swait.ge @!p0 [sflag:s8], $0x0  }
0x24: {  	s3 =	sadd.s32 $0x88, s3;
	s6 =	simm.s32 @!p1 $0x1082;
	[sflag:s4] =	ssyncset.s32 $0xFFFFF086  }
0x25: {  	[simem:s6], [sflag:s4] =	dma.local [hbm:s3], $0xF7A  }
0x26: {  	[smem:$0x3F9F] =	sst s1;
	(tag) =	ssettag s2;
	_ =	strace s9  }
0x27: {  	s1 =	sld [smem:$0x3FAF]  }
0x28: {  	s2 =	sld [smem:$0x3FB0]  }
0x29: {  	s4 =	sld [smem:$0x3FB2]  }
0x2a: {  	p0 =	seq.s32 s5, $0x0;
	s5 =	sld [smem:$0x3FB3]  }
0x2b: {  	s6 =	sld [smem:$0x3FB4]  }
0x2c: {  	s7 =	sld [smem:$0x3FB5]  }
0x2d: {  	s3 =	simm.s32 $0x108;
	s8 =	sld [smem:$0x3FB6]  }
0x2e: {  	s3 =	simm.s32 @!p0 $0x1082;
	s9 =	sld [smem:$0x3FB7]  }
0x2f: {  	lr =	sadd.s32 s0, s3;
	s0 =	sld [smem:$0x3FAE]  }
0x30: {  	s3 =	sld [smem:$0x3FB1]  }
0x31: {  	[smem:$0x3FBA] =	sst s10  }
0x32: {  	s10 =	sld [smem:$0x3FB8];
	_ =	sdelay $0x3  }
0x33: {  	p0 =	seq.s32 s10, $0x1;
	s10 =	sld [smem:$0x3FBA];
	_ =	sdelay $0x3  }
0x34: {  	[smem:$0x3FBA] =	sst s10  }
0x35: {  	s10 =	sld [smem:$0x3FB9];
	_ =	sdelay $0x3  }
0x36: {  	p1 =	seq.s32 s10, $0x1;
	s10 =	sld [smem:$0x3FBA];
	_ =	sdelay $0x3  }
0x37: {  	[smem:$0x3FBA] =	sst s10  }
0x38: {  	s10 =	sld [smem:$0x3FBB]  }
0x39: {  	_ = 	snop;
	(pc) =	sbr.ind lr, $3  }
0x3a: {  	_ = 	snop  }
0x3b: {  	_ = 	snop  }
0x3c: {  	p2 =	seq.s32 s10, $0x1;
	s10 =	sld [smem:$0x3FBA]  }
0x3d: {  	_ =	shalt  }
0x3e: {  	_ =	shalt  }
0x3f: {  	_ =	shalt  }
0x40: {  	_ =	shalt  }
0x41: {  	_ =	shalt  }
0x42: {  	_ =	shalt  }
0x43: {  	_ =	shalt  }
0x44: {  	_ =	shalt  }
0x45: {  	_ =	shalt  }
0x46: {  	_ =	shalt  }
0x47: {  	_ =	shalt  }
0x48: {  	_ =	shalt  }
0x49: {  	_ =	shalt  }
0x4a: {  	_ =	shalt  }
0x4b: {  	_ =	shalt  }
0x4c: {  	_ =	shalt  }
0x4d: {  	_ =	shalt  }
0x4e: {  	_ =	shalt  }
0x4f: {  	_ =	shalt  }
0x50: {  	_ =	shalt  }
0x51: {  	_ =	shalt  }
0x52: {  	_ =	shalt  }
0x53: {  	_ =	shalt  }
0x54: {  	_ =	shalt  }
0x55: {  	_ =	shalt  }
0x56: {  	_ =	shalt  }
0x57: {  	_ =	shalt  }
0x58: {  	_ =	shalt  }
0x59: {  	_ =	shalt  }
0x5a: {  	_ =	shalt  }
0x5b: {  	_ =	shalt  }
0x5c: {  	_ =	shalt  }
0x5d: {  	_ =	shalt  }
0x5e: {  	_ =	shalt  }
0x5f: {  	_ =	shalt  }
0x60: {  	_ =	shalt  }
0x61: {  	_ =	shalt  }
0x62: {  	_ =	shalt  }
0x63: {  	_ =	shalt  }
0x64: {  	_ =	shalt  }
0x65: {  	_ =	shalt  }
0x66: {  	_ =	shalt  }
0x67: {  	_ =	shalt  }
0x68: {  	_ =	shalt  }
0x69: {  	_ =	shalt  }
0x6a: {  	_ =	shalt  }
0x6b: {  	_ =	shalt  }
0x6c: {  	_ =	shalt  }
0x6d: {  	_ =	shalt  }
0x6e: {  	_ =	shalt  }
0x6f: {  	_ =	shalt  }
0x70: {  	_ =	shalt  }
0x71: {  	_ =	shalt  }
0x72: {  	_ =	shalt  }
0x73: {  	_ =	shalt  }
0x74: {  	_ =	shalt  }
0x75: {  	_ =	shalt  }
0x76: {  	_ =	shalt  }
0x77: {  	_ =	shalt  }
0x78: {  	_ =	shalt  }
0x79: {  	_ =	shalt  }
0x7a: {  	_ =	shalt  }
0x7b: {  	_ =	shalt  }
0x7c: {  	_ =	shalt  }
0x7d: {  	_ =	shalt  }
0x7e: {  	_ =	shalt  }
0x7f: {  	_ =	shalt  }
0x80: {  	_ =	shalt  }
0x81: {  	_ =	shalt  }
0x82: {  	_ =	shalt  }
0x83: {  	_ =	shalt  }
0x84: {  	_ =	shalt  }
0x85: {  	_ =	shalt  }
0x86: {  	_ =	shalt  }
0x87: {  	_ =	shalt  }
.Lfunc_end0:
.L_simem_size_0:
called_computation_lowered:
.L_overlay_start_0:
0x88: {  	s2 =	sld [smem:$0x3FD9]  }
0x89: {  	s3 =	sld [smem:$0x3FFE];
	_ =	sdelay $0x1  }
0x8a: {  	s1 =	srdreg.scid  }
0x8b: {  	s0 =	sand.u32 $0x1, s1  }
0x8c: {  	s17 =	sshll.u32 s0, $0xA;
	s2 =	sadd.s32 s3, s2  }
0x8d: {  	s2 =	sadd.s32 s2, s17  }
0x8e: {  	[smem:$0x3FC6] =	sst s2  }
0x8f: {  	_ = 	snop  }
0x90: {  	s2 =	sld [smem:$0x3FC8];
	(tm) =	ssettm $0x1  }
0x91: {  	s18 =	sld [smem:$0x3FFB];
	_ =	sdelay $0x3  }
0x92: {  	_ =	strace s18  }
0x93: {  	s3 =	sld [smem:$0x3FFC];
	_ =	sdelay $0x3  }
0x94: {  	_ =	strace s3  }
0x95: {  	s3 =	sld [smem:$0x3FFD];
	_ =	sdelay $0x3  }
0x96: {  	_ =	strace s3  }
0x97: {  	_ =	strace $0x8FFFFFFF  }
0x98: {  	s19 =	sld [smem:$0x3FDB];
	_ =	sdelay $0x1  }
0x99: {  	s4 =	simm.s32 $_scs_section_size  }
0x9a: {  	s5 =	simm.s32 $_size__tile_overlayer_lowered;
	s6 =	simm.s32 $_tile_overlayer_lowered  }
0x9b: {  	s22 =	simm.s32 $0x1BFF;
	s21 =	sshll.u32 s6, $0x1;
	s3 =	sadd.s32 s4, s19  }
0x9c: {  	s7 =	simm.s32 $0x0;
	s20 =	sshll.u32 s5, $0x1;
	s5 =	sadd.s32 s21, s3  }
0x9d: {  	[timem:s7], [sflag:s22] =	dma.local [hbm:s5], s20  }
0x9e: {  	_ =	swait.ge [sflag:s22], s20  }
0x9f: {  	s4 =	ssub.s32 $0x0, s20;
	[sflag:s22] =	ssyncset.done $0x0  }
0xa0: {  	[sflag:s22] =	ssyncadd.s32 s4;
	_ =	sdelay $0x1  }
0xa1: {  	s23 =	simm.s32 $0x1B8B  }
0xa2: {  	_ =	swait.ge [sflag:s23], $0x1  }
0xa3: {  	[sflag:s23] =	ssyncset.done $0x0  }
0xa4: {  	s25 =	simm.s32 $0x1B8E;
	s24 =	sld [smem:$0x3FFE];
	[sflag:s23] =	ssyncadd.s32 $0xFFFFFFFF  }
0xa5: {  	s26 =	simm.s32 $execute0_lowered;
	[smem:$0x3FD2] =	sst s25  }
0xa6: {  	s5 =	sshll.u32 s26, $0x1;
	_ =	strace $0x80000046;
	[dreg:$0x1] =	wrdreg $0xFFFFFFFF  }
0xa7: {  	s28 =	simm.s32 $_size_execute0_lowered;
	s3 =	sadd.s32 s3, s5;
	[dreg:$0x0] =	wrdreg $0x0  }
0xa8: {  	s5 =	sshll.u32 s28, $0x1;
	[dreg:$0x2] =	wrdreg s3  }
0xa9: {  	[dreg:$0x3] =	wrdreg s5  }
0xaa: {  	[dreg:$0x4] =	wrdreg $0xC0  }
0xab: {  	_ =	task [dreg:s7], $0x5FFFF  }
0xac: {  	[dreg:$0x1] =	wrdreg $0xFFFFFFFF  }
0xad: {  	[dreg:$0x0] =	wrdreg $0x60  }
0xae: {  	[dreg:$0x2] =	wrdreg s24  }
0xaf: {  	[dreg:$0x3] =	wrdreg s2  }
0xb0: {  	[dreg:$0x4] =	wrdreg $0x9  }
0xb1: {  	_ =	task.clear_ibuf [dreg:s7], $0x5FFFF;
	_ =	strace $0x90000046  }
0xb2: {  	s29 =	simm.s32 $0x9;
	_ =	strace $0x80000048  }
0xb3: {  	_ =	swait.ge [sflag:s29], $0x1  }
0xb4: {  	[sflag:s29] =	ssyncadd.s32 $0xFFFFFFFF  }
0xb5: {  	_ =	strace $0x90000048  }
0xb6: {  	_ =	sfence  }
0xb7: {  	s30 =	sld [smem:$0x0];
	_ =	sdelay $0x2  }
0xb8: {  	s31 =	sshll.u32 s1, $0xD;
	s1 =	sshrl.u32 s1, $0x2  }
0xb9: {  	s3 =	sand.u32 $0x4000, s31;
	s1 =	sadd.s32 s1, s30  }
0xba: {  	s0 =	sor.u32 s3, s0;
	s1 =	sshll.u32 s1, $0x11  }
0xbb: {  	s0 =	sor.u32 s1, s0  }
0xbc: {  	s0 =	sadd.s32 $0x8F2B, s0  }
0xbd: {  	[sflag:s0] =	ssyncadd.remote.s32 $0x1  }
0xbe: {  	_ =	sfence.sel $0xFFFF  }
0xbf: {  	[dreg:$0x0] =	wrdreg $0xFFFFFFFF;
	(pc) =	sbr.abs _section_cstart, $3  }
0xc0: {  	[dreg:$0x1] =	wrdreg $0xFFFFFFFF  }
0xc1: {  	_ =	task.clear_ibuf [dreg:s7], $0x2FFFF;
	_ =	strace $0x9FFFFFFF  }
0xc2: {  	(tm) =	ssettm $0x7FFFFFFF  }
0xc3: {  	_ =	shalt  }
tec
execute0_lowered:
.L_overlay_start_1:
0x0: {  	(tag) =	ssettag $0x1  }
0x1: {  	v0 =	vimm.s32 $0x2380  }
0x2: {  	vm0 =	vcmask $0x300;
	v1 =	vimm.s32 $0x2383;
	vm1 =	vcmask $0x704  }
0x3: {  	vm15 =	vcmask $0xB08;
	v0 =	vsel vm0, $0x0, v0;
	v1 =	vsel vm0, $0x3, v1  }
0x4: {  	s3 =	rddreg [dreg:$0x0];
	vm4 =	vcmask $0xF0C;
	v0 =	vsel vm1, $0x80, v0;
	v1 =	vsel vm1, $0x83, v1  }
0x5: {  	s4 =	rddreg [dreg:$0x1];
	vm5 =	vcmask $0x1310;
	v0 =	vsel vm15, $0x100, v0;
	v1 =	vsel vm15, $0x103, v1  }
0x6: {  	s0 =	rddreg [dreg:$0x2];
	s5 =	srdreg.scid;
	vm6 =	vcmask $0x1714;
	v0 =	vsel vm4, $0x180, v0;
	v1 =	vsel vm4, $0x183, v1  }
0x7: {  	s1 =	stileid.u32;
	s2 =	simm.s32 $0x0;
	vm7 =	vcmask $0x1B18;
	s11 =	simm.s32 $0x3;
	v0 =	vsel vm5, $0x200, v0;
	v1 =	vsel vm5, $0x203, v1  }
0x8: {  	vm8 =	vcmask $0x1F1C;
	s12 =	simm.s32 $0x1;
	s13 =	simm.s32 $0x4000;
	s14 =	simm.s32 $0x2;
	v0 =	vsel vm6, $0x280, v0;
	v1 =	vsel vm6, $0x283, v1  }
0x9: {  	vm9 =	vcmask $0x2320;
	s15 =	simm.s32 $0x8080;
	s16 =	simm.s32 $0x0;
	s5 =	sand.u32 $0x1, s5;
	v0 =	vsel vm7, $0x300, v0;
	v1 =	vsel vm7, $0x303, v1  }
0xa: {  	vm10 =	vcmask $0x2724;
	s6 =	sshll.u32 s1, $0x1;
	[smem:$0x7FF] =	sst s2;
	s7 =	sadd.s32 $0x600, s3;
	v0 =	vsel vm8, $0x380, v0;
	v1 =	vsel vm8, $0x383, v1  }
0xb: {  	vm11 =	vcmask $0x2B28;
	s6 =	sor.u32 s5, s6;
	_ =	strace $0x80000047;
	s29 =	ssub.s32 $0x2, s5;
	v0 =	vsel vm9, $0x2000, v0;
	v1 =	vsel vm9, $0x2003, v1  }
0xc: {  	vm12 =	vcmask $0x2F2C;
	s8 =	sshll.u32 s6, $0x1;
	s30 =	sshll.u32 s6, $0x6;
	s9 =	sshrl.u32 s29, $0x1;
	v0 =	vsel vm10, $0x2080, v0;
	v1 =	vsel vm10, $0x2083, v1  }
0xd: {  	vm13 =	vcmask $0x3330;
	s6 =	sshll.u32 s6, $0xD;
	s8 =	sadd.s32 s8, s3;
	s5 =	sor.u32 $0x3800, s30;
	v0 =	vsel vm11, $0x2100, v0;
	v1 =	vsel vm11, $0x2103, v1  }
0xe: {  	vm14 =	vcmask $0x3734;
	s9 =	ssub.s32 s29, s9;
	s10 =	sadd.s32 s6, s7;
	s31 =	sshrl.u32 s5, $0x3;
	v0 =	vsel vm12, $0x2180, v0;
	v1 =	vsel vm12, $0x2183, v1  }
0xf: {  	vm15 =	vcmask $0x3B38;
	s5 =	sshll.u32 s5, $0x7;
	s8 =	sadd.s32 $0x200600, s8;
	s3 =	sadd.s32 s4, s31;
	v0 =	vsel vm13, $0x2200, v0;
	v1 =	vsel vm13, $0x2203, v1  }
0x10: {  	s4 =	sadd.s32 $0x1C0800, s10;
	s5 =	sadd.s32 s7, s5;
	s7 =	sadd.s32 $0x1C1800, s10;
	v0 =	vsel vm14, $0x2280, v0;
	v2 =	vsel vm14, $0x2283, v1  }
0x11: {  	s6 =	sadd.s32 $0x1C1000, s10;
	s9 =	smax.u32 s9, $0x1;
	s10 =	simm.s32 $0x8000;
	v1 =	vimm.f32 $-1.000000020e+30;
	v0 =	vsel vm15, $0x2300, v0;
	v2 =	vsel vm15, $0x2303, v2  }
.LBB2_1:
0x12: {  	[tilespmem:s10], [sflag:$0x3] =	stream.linear.gather [hbm4b:s3+s2], $0x40, $0x38;
	[tilespmem:$0x8100] =	vst v63  }
0x13: {  	_ =	swait.ge [sflag:s11], $0x40  }
0x14: {  	[sflag:s11] =	ssyncset.done $0x0  }
0x15: {  	v4 =	vimm.f32 $0.0e+00;
	[sflag:s11] =	ssyncadd.s32 $0xFFFFFFC0  }
0x16: {  	[tilespmem:$0x8080] =	vst v4  }
0x17: {  	[tilespmem:s2], [sflag:$0x1] =	stream.linear.gather [hbm4b:s5+s2], $0x4000, $0x38;
	[tilespmem:$0x8100] =	vst v63  }
0x18: {  	_ =	swait.ge [sflag:s12], $0x4000  }
0x19: {  	[sflag:s12] =	ssyncset.done $0x0  }
0x1a: {  	[sflag:s12] =	ssyncadd.s32 $0xFFFFC000  }
0x1b: {  	[tilespmem:s13], [sflag:$0x2] =	stream.linear.gather [hbm4b:s4+s2], $0x4000, $0x38;
	[tilespmem:$0x8100] =	vst v63  }
0x1c: {  	v3 =	vld [tilespmem:$0x8000];
	_ =	sdelay $0x4  }
0x1d: {  	v5 =	vshll.u32 v3, $0x3  }
0x1e: {  	v6 =	vimm.s32 $0x0;
	v3 =	vand.u32 $0x7F, v3;
	v5 =	vand.u32 $0xFFFFFC00, v5  }
0x1f: {  	v3 =	vor.u32 v3, v5;
	v5 =	vshll.u32 v6, $0x3  }
0x20: {  	v7 =	vadd.s32 v0, v3;
	v3 =	vand.u32 $0x78, v6;
	v5 =	vand.u32 $0xFFFFFC00, v5  }
0x21: {  	v5 =	vor.u32 v3, v5  }
0x22: {  	v8 =	vadd.s32 v0, v5;
	_ =	sdelay $0x1  }
0x23: {  	v9 =	vor.u32 $0x1, v8;
	_ =	sdelay $0x1  }
0x24: {  	v3 =	vld.idx.msk [tilespmem:v7+s2+$0x0], $0xffff;
	[tilespmem:v7+s2+$0x0] =	vst.idx.msk $0xffff, v1;
	v7 =	vor.u32 $0x2, v8  }
0x25: {  	v5 =	vadd.s32 v2, v5;
	v10 =	vld.idx.msk [tilespmem:v8+s2+$0x0], $0xffff;
	_ =	sdelay $0x1  }
0x26: {  	v11 =	vor.u32 $0x4, v8;
	v9 =	vld.idx.msk [tilespmem:v9+s2+$0x0], $0xffff;
	_ =	sdelay $0x1  }
0x27: {  	v12 =	vor.u32 $0x5, v8;
	v7 =	vld.idx.msk [tilespmem:v7+s2+$0x0], $0xffff  }
0x28: {  	v5 =	vld.idx.msk [tilespmem:v5+s2+$0x0], $0xffff;
	v10 =	vmul.f32 $1.442695020e+00, v10  }
0x29: {  	v6 =	vadd.s32 $0x8, v6;
	v14 =	vor.u32 $0x6, v8  }
0x2a: {  	v13 =	vshll.u32 v6, $0x3;
	v11 =	vld.idx.msk [tilespmem:v11+s2+$0x0], $0xffff;
	v9 =	vmul.f32 $1.442695020e+00, v9;
	(erf) = vpow2.f32 v10  }
0x2b: {  	v13 =	vand.u32 $0xFFFFFC00, v13;
	v15 =	vor.u32 $0x7, v8;
	v10 =	vand.u32 $0x78, v6  }
0x2c: {  	v7 =	vmul.f32 $1.442695020e+00, v7;
	(erf) = vpow2.f32 v9;
	v9 =	vor.u32 v10, v13;
	v10 =	vld.idx.msk [tilespmem:v12+s2+$0x0], $0xffff  }
0x2d: {  	v5 =	vmul.f32 $1.442695020e+00, v5  }
0x2e: {  	v8 =	vadd.s32 v0, v9;
	(erf) = vpow2.f32 v7;
	v7 =	vld.idx.msk [tilespmem:v14+s2+$0x0], $0xffff  }
0x2f: {  	(erf) = vpow2.f32 v5;
	v5 =	vmul.f32 $1.442695020e+00, v11  }
0x30: {  	v12 =	vor.u32 $0x1, v8;
	v11 =	vld.idx.msk [tilespmem:v15+s2+$0x0], $0xffff  }
0x31: {  	v14 =	vadd.s32 $0x8, v6;
	v15 =	vor.u32 $0x2, v8;
	v6 =	vmul.f32 $1.442695020e+00, v10  }
0x32: {  	(erf) = vpow2.f32 v5  }
0x33: {  	v9 =	vadd.s32 v2, v9;
	v18 =	vor.u32 $0x4, v8;
	v17 =	vld.idx.msk [tilespmem:v8+s2+$0x0], $0xffff;
	v7 =	vmul.f32 $1.442695020e+00, v7;
	v5 =	vpop (erf)  }
0x34: {  	v10 =	vshll.u32 v14, $0x3;
	(erf) = vpow2.f32 v6;
	v13 =	vadd.f32 v5, v4  }
0x35: {  	v10 =	vand.u32 $0xFFFFFC00, v10;
	v19 =	vld.idx.msk [tilespmem:v12+s2+$0x0], $0xffff;
	v12 =	vand.u32 $0x78, v14;
	v11 =	vmul.f32 $1.442695020e+00, v11;
	v6 =	vpop (erf)  }
0x36: {  	v16 =	vld.idx.msk [tilespmem:v15+s2+$0x0], $0xffff;
	(erf) = vpow2.f32 v7;
	v20 =	vadd.f32 v6, v13;
	v13 =	vor.u32 $0x5, v8  }
0x37: {  	v10 =	vor.u32 v12, v10;
	v7 =	vpop (erf)  }
0x38: {  	v15 =	vld.idx.msk [tilespmem:v9+s2+$0x0], $0xffff;
	(erf) = vpow2.f32 v11;
	v21 =	vmul.f32 $1.442695020e+00, v17;
	v20 =	vadd.f32 v7, v20  }
0x39: {  	v12 =	vadd.s32 v0, v10;
	v11 =	vadd.s32 $0x8, v14;
	v17 =	vor.u32 $0x6, v8;
	v9 =	vpop (erf)  }
0x3a: {  	s17 =	simm.s32 $0x7A;
	v14 =	vld.idx.msk [tilespmem:v18+s2+$0x0], $0xffff;
	v18 =	vmul.f32 $1.442695020e+00, v19;
	(erf) = vpow2.f32 v21;
	v19 =	vadd.f32 v9, v20  }
.LBB2_2:
0x3b: {  	p0 =	sne.s32 s17, $0x1;
	v16 =	vmul.f32 $1.442695020e+00, v16;
	v13 =	vld.idx.msk [tilespmem:v13+s2+$0x0], $0xffff;
	v20 =	vor.u32 $0x7, v8;
	v4 =	vmax.f32 v4, v5;
	v5 =	vpop (erf)  }
0x3c: {  	v8 =	vmovc v12;
	(erf) = vpow2.f32 v18;
	v4 =	vmax.f32 v4, v6;
	v6 =	vadd.f32 v5, v19  }
0x3d: {  	v12 =	vor.u32 $0x2, v8;
	v15 =	vmul.f32 $1.442695020e+00, v15;
	v4 =	vmax.f32 v4, v7;
	v7 =	vpop (erf)  }
0x3e: {  	v17 =	vld.idx.msk [tilespmem:v17+s2+$0x0], $0xffff;
	(erf) = vpow2.f32 v16;
	v4 =	vmax.f32 v4, v9;
	v6 =	vadd.f32 v7, v6  }
0x3f: {  	v9 =	vor.u32 $0x1, v8;
	v14 =	vmul.f32 $1.442695020e+00, v14;
	v4 =	vmax.f32 v4, v5;
	v5 =	vpop (erf)  }
0x40: {  	v18 =	vld.idx.msk [tilespmem:v20+s2+$0x0], $0xffff;
	(erf) = vpow2.f32 v15;
	v4 =	vmax.f32 v4, v7;
	v6 =	vadd.f32 v5, v6  }
0x41: {  	v7 =	vadd.s32 v2, v10;
	v10 =	vmul.f32 $1.442695020e+00, v13;
	v4 =	vmax.f32 v4, v5;
	v5 =	vpop (erf)  }
0x42: {  	v19 =	vld.idx.msk [tilespmem:v8+s2+$0x0], $0xffff;
	(erf) = vpow2.f32 v14;
	v21 =	vadd.f32 v5, v6;
	v4 =	vmax.f32 v4, v5  }
0x43: {  	v13 =	vshll.u32 v11, $0x3;
	v14 =	vor.u32 $0x4, v8;
	v5 =	vpop (erf)  }
0x44: {  	v15 =	vmul.f32 $1.442695020e+00, v17;
	v20 =	vld.idx.msk [tilespmem:v9+s2+$0x0], $0xffff;
	v9 =	vadd.f32 v5, v21;
	(erf) = vpow2.f32 v10  }
0x45: {  	v17 =	vand.u32 $0xFFFFFC00, v13;
	v13 =	vor.u32 $0x5, v8;
	v10 =	vand.u32 $0x78, v11;
	v16 =	vld.idx.msk [tilespmem:v12+s2+$0x0], $0xffff;
	v6 =	vpop (erf)  }
.Ltmp0:
0x46: {  	v12 =	vmul.f32 $1.442695020e+00, v18;
	v22 =	vadd.f32 v6, v9;
	(erf) = vpow2.f32 v15;
	(pc) =	sbr.rel @p0 .LBB2_2-.Ltmp0, $4  }
0x47: {  	v10 =	vor.u32 v10, v17;
	v15 =	vld.idx.msk [tilespmem:v7+s2+$0x0], $0xffff;
	v7 =	vpop (erf)  }
0x48: {  	v19 =	vmul.f32 $1.442695020e+00, v19;
	v21 =	vadd.f32 v7, v22;
	(erf) = vpow2.f32 v12  }
0x49: {  	v11 =	vadd.s32 $0x8, v11;
	v17 =	vor.u32 $0x6, v8;
	v12 =	vadd.s32 v0, v10;
	v14 =	vld.idx.msk [tilespmem:v14+s2+$0x0], $0xffff;
	v9 =	vpop (erf)  }
0x4a: {  	s17 =	sadd.s32 $0xFFFFFFFF, s17;
	v18 =	vmul.f32 $1.442695020e+00, v20;
	(erf) = vpow2.f32 v19;
	v19 =	vadd.f32 v9, v21  }
0x4b: {  	_ =	sdelay $0x1  }
0x4c: {  	v11 =	vmul.f32 $1.442695020e+00, v16;
	v16 =	vpop (erf)  }
0x4d: {  	v8 =	vor.u32 $0x7, v8;
	(erf) = vpow2.f32 v18;
	v18 =	vadd.f32 v16, v19  }
0x4e: {  	v13 =	vld.idx.msk [tilespmem:v13+s2+$0x0], $0xffff;
	v19 =	vpop (erf)  }
0x4f: {  	v15 =	vmul.f32 $1.442695020e+00, v15;
	(erf) = vpow2.f32 v11;
	v11 =	vadd.f32 v19, v18  }
0x50: {  	v17 =	vld.idx.msk [tilespmem:v17+s2+$0x0], $0xffff;
	v18 =	vor.u32 $0x1, v12;
	v20 =	vpop (erf)  }
0x51: {  	v14 =	vmul.f32 $1.442695020e+00, v14;
	(erf) = vpow2.f32 v15;
	v11 =	vadd.f32 v20, v11  }
0x52: {  	v15 =	vor.u32 $0x2, v12;
	v8 =	vld.idx.msk [tilespmem:v8+s2+$0x0], $0xffff;
	v21 =	vpop (erf)  }
0x53: {  	v13 =	vmul.f32 $1.442695020e+00, v13;
	(erf) = vpow2.f32 v14;
	v11 =	vadd.f32 v21, v11  }
0x54: {  	v10 =	vadd.s32 v2, v10;
	v14 =	vld.idx.msk [tilespmem:v12+s2+$0x0], $0xffff;
	v22 =	vpop (erf)  }
0x55: {  	v17 =	vmul.f32 $1.442695020e+00, v17;
	(erf) = vpow2.f32 v13;
	v18 =	vld.idx.msk [tilespmem:v18+s2+$0x0], $0xffff;
	v11 =	vadd.f32 v22, v11  }
0x56: {  	v13 =	vor.u32 $0x4, v12;
	v23 =	vpop (erf)  }
0x57: {  	v15 =	vld.idx.msk [tilespmem:v15+s2+$0x0], $0xffff;
	v8 =	vmul.f32 $1.442695020e+00, v8;
	(erf) = vpow2.f32 v17;
	v11 =	vadd.f32 v23, v11  }
0x58: {  	v17 =	vor.u32 $0x5, v12;
	v24 =	vpop (erf)  }
0x59: {  	v14 =	vmul.f32 $1.442695020e+00, v14;
	(erf) = vpow2.f32 v8;
	v11 =	vadd.f32 v24, v11  }
0x5a: {  	v8 =	vld.idx.msk [tilespmem:v10+s2+$0x0], $0xffff;
	v25 =	vpop (erf);
	v18 =	vmul.f32 $1.442695020e+00, v18  }
0x5b: {  	v10 =	vor.u32 $0x6, v12;
	(erf) = vpow2.f32 v14;
	v11 =	vadd.f32 v25, v11  }
0x5c: {  	v13 =	vld.idx.msk [tilespmem:v13+s2+$0x0], $0xffff;
	v14 =	vmul.f32 $1.442695020e+00, v15;
	v15 =	vpop (erf)  }
0x5d: {  	v12 =	vor.u32 $0x7, v12;
	(erf) = vpow2.f32 v18;
	v11 =	vadd.f32 v15, v11  }
0x5e: {  	v17 =	vld.idx.msk [tilespmem:v17+s2+$0x0], $0xffff;
	v18 =	vpop (erf)  }
0x5f: {  	v8 =	vmul.f32 $1.442695020e+00, v8;
	(erf) = vpow2.f32 v14;
	v11 =	vadd.f32 v18, v11  }
0x60: {  	v10 =	vld.idx.msk [tilespmem:v10+s2+$0x0], $0xffff;
	v14 =	vpop (erf)  }
0x61: {  	v13 =	vmul.f32 $1.442695020e+00, v13;
	(erf) = vpow2.f32 v8;
	v8 =	vadd.f32 v14, v11  }
0x62: {  	v4 =	vmax.f32 v4, v5;
	v11 =	vld.idx.msk [tilespmem:v12+s2+$0x0], $0xffff;
	v12 =	vpop (erf)  }
0x63: {  	(erf) = vpow2.f32 v13;
	v13 =	vmul.f32 $1.442695020e+00, v17;
	v8 =	vadd.f32 v12, v8  }
0x64: {  	v4 =	vmax.f32 v4, v6;
	v5 =	vpop (erf)  }
0x65: {  	v10 =	vmul.f32 $1.442695020e+00, v10;
	(erf) = vpow2.f32 v13;
	v8 =	vadd.f32 v5, v8  }
0x66: {  	v4 =	vmax.f32 v4, v7;
	v6 =	vpop (erf)  }
0x67: {  	(erf) = vpow2.f32 v10;
	v10 =	vmul.f32 $1.442695020e+00, v11;
	v8 =	vadd.f32 v6, v8  }
0x68: {  	v3 =	vmul.f32 $1.442695020e+00, v3;
	v4 =	vmax.f32 v4, v9;
	v7 =	vpop (erf)  }
0x69: {  	v4 =	vmax.f32 v4, v16;
	(erf) = vpow2.f32 v10;
	v8 =	vadd.f32 v7, v8  }
0x6a: {  	v9 =	vpop (erf)  }
0x6b: {  	(erf) = vpow2.f32 v3;
	v8 =	vadd.f32 v9, v8  }
0x6c: {  	v3 =	vmax.f32 v4, v19;
	v4 =	vpop (erf)  }
0x6d: {  	v3 =	vmax.f32 v3, v20;
	v8 =	vadd.f32 v4, v8  }
0x6e: {  	v3 =	vmax.f32 v3, v21;
	v10 =	vpop (erf)  }
0x6f: {  	v3 =	vmax.f32 v3, v22;
	v8 =	vadd.f32 v10, v8  }
0x70: {  	v3 =	vmax.f32 v3, v23;
	v11 =	vpop (erf)  }
0x71: {  	v3 =	vmax.f32 v3, v24;
	v8 =	vadd.f32 v11, v8  }
0x72: {  	v3 =	vmax.f32 v3, v25;
	v13 =	vpop (erf)  }
0x73: {  	v3 =	vmax.f32 v3, v15;
	v8 =	vadd.f32 v13, v8  }
0x74: {  	v3 =	vmax.f32 v3, v18;
	v15 =	vpop (erf)  }
0x75: {  	v3 =	vmax.f32 v3, v14;
	v8 =	vadd.f32 v8, v15  }
0x76: {  	v3 =	vmax.f32 v3, v12  }
0x77: {  	v3 =	vmax.f32 v3, v5;
	(erf) = vrcp.f32 v8  }
0x78: {  	v3 =	vmax.f32 v3, v6  }
0x79: {  	v3 =	vmax.f32 v3, v7  }
0x7a: {  	v3 =	vmax.f32 v3, v9  }
0x7b: {  	v3 =	vmax.f32 v3, v4  }
0x7c: {  	v3 =	vmax.f32 v3, v10  }
0x7d: {  	v3 =	vmax.f32 v3, v11  }
0x7e: {  	v4 =	vld [tilespmem:$0x8080];
	v3 =	vmax.f32 v3, v13  }
0x7f: {  	v3 =	vsub.f32 v3, v15  }
0x80: {  	v5 =	vpop (erf)  }
0x81: {  	v3 =	vmul.f32 v5, v3;
	_ =	sdelay $0x1  }
0x82: {  	v3 =	vadd.f32 v4, v3;
	_ =	sdelay $0x1  }
0x83: {  	[tilespmem:$0x8080] =	vst v3  }
0x84: {  	_ =	swait.ge [sflag:s14], $0x4000  }
0x85: {  	[sflag:s14] =	ssyncset.done $0x0  }
0x86: {  	[sflag:s14] =	ssyncadd.s32 $0xFFFFC000  }
0x87: {  	[tilespmem:s2], [sflag:$0x1] =	stream.linear.gather [hbm4b:s6+s2], $0x4000, $0x38;
	[tilespmem:$0x8100] =	vst v63  }
0x88: {  	v3 =	vld [tilespmem:$0x8010];
	_ =	sdelay $0x4  }
0x89: {  	v4 =	vshll.u32 v3, $0x3  }
0x8a: {  	v5 =	vimm.s32 $0x0;
	v3 =	vand.u32 $0x7F, v3;
	v4 =	vand.u32 $0xFFFFFC00, v4  }
0x8b: {  	v3 =	vor.u32 v3, v4;
	v4 =	vshll.u32 v5, $0x3  }
0x8c: {  	v6 =	vadd.s32 v0, v3;
	v3 =	vand.u32 $0x78, v5;
	v4 =	vand.u32 $0xFFFFFC00, v4  }
0x8d: {  	v4 =	vor.u32 v3, v4  }
0x8e: {  	v7 =	vadd.s32 v0, v4;
	_ =	sdelay $0x1  }
0x8f: {  	v8 =	vor.u32 $0x1, v7;
	_ =	sdelay $0x1  }
0x90: {  	v3 =	vld.idx.msk [tilespmem:v6+s13+$0x0], $0xffff;
	[tilespmem:v6+s13+$0x0] =	vst.idx.msk $0xffff, v1;
	v6 =	vor.u32 $0x2, v7  }
0x91: {  	v9 =	vld.idx.msk [tilespmem:v7+s13+$0x0], $0xffff  }
0x92: {  	v4 =	vadd.s32 v2, v4  }
0x93: {  	v8 =	vld.idx.msk [tilespmem:v8+s13+$0x0], $0xffff  }
0x94: {  	v10 =	vor.u32 $0x4, v7  }
0x95: {  	v6 =	vld.idx.msk [tilespmem:v6+s13+$0x0], $0xffff  }
0x96: {  	v5 =	vadd.s32 $0x8, v5;
	v11 =	vor.u32 $0x5, v7;
	v9 =	vmul.f32 $1.442695020e+00, v9  }
0x97: {  	v12 =	vshll.u32 v5, $0x3;
	v4 =	vld.idx.msk [tilespmem:v4+s13+$0x0], $0xffff  }
0x98: {  	v13 =	vor.u32 $0x6, v7;
	v8 =	vmul.f32 $1.442695020e+00, v8;
	(erf) = vpow2.f32 v9  }
0x99: {  	v12 =	vand.u32 $0xFFFFFC00, v12;
	v7 =	vor.u32 $0x7, v7;
	v10 =	vld.idx.msk [tilespmem:v10+s13+$0x0], $0xffff  }
0x9a: {  	v9 =	vand.u32 $0x78, v5;
	v6 =	vmul.f32 $1.442695020e+00, v6;
	(erf) = vpow2.f32 v8  }
0x9b: {  	v11 =	vld.idx.msk [tilespmem:v11+s13+$0x0], $0xffff;
	v9 =	vor.u32 v9, v12  }
0x9c: {  	v4 =	vmul.f32 $1.442695020e+00, v4;
	v8 =	vadd.s32 v0, v9;
	(erf) = vpow2.f32 v6  }
0x9d: {  	v6 =	vld.idx.msk [tilespmem:v13+s13+$0x0], $0xffff;
	v12 =	vor.u32 $0x1, v8  }
0x9e: {  	v7 =	vld.idx.msk [tilespmem:v7+s13+$0x0], $0xffff;
	v10 =	vmul.f32 $1.442695020e+00, v10;
	(erf) = vpow2.f32 v4  }
0x9f: {  	v14 =	vadd.s32 $0x8, v5;
	v15 =	vor.u32 $0x2, v8  }
0xa0: {  	v11 =	vmul.f32 $1.442695020e+00, v11;
	v9 =	vadd.s32 v2, v9;
	(erf) = vpow2.f32 v10  }
0xa1: {  	v18 =	vor.u32 $0x4, v8;
	v4 =	vimm.f32 $0.0e+00;
	v10 =	vshll.u32 v14, $0x3;
	v17 =	vld.idx.msk [tilespmem:v8+s13+$0x0], $0xffff;
	v5 =	vpop (erf)  }
0xa2: {  	v19 =	vld.idx.msk [tilespmem:v12+s13+$0x0], $0xffff;
	v12 =	vmul.f32 $1.442695020e+00, v6;
	(erf) = vpow2.f32 v11;
	v13 =	vadd.f32 v5, v4  }
0xa3: {  	v62 =	vmul.f32 $1.442695020e+00, v7;
	v10 =	vand.u32 $0xFFFFFC00, v10;
	v11 =	vand.u32 $0x78, v14;
	v6 =	vpop (erf)  }
0xa4: {  	v16 =	vld.idx.msk [tilespmem:v15+s13+$0x0], $0xffff;
	(erf) = vpow2.f32 v12;
	v20 =	vadd.f32 v6, v13;
	v13 =	vor.u32 $0x5, v8  }
0xa5: {  	v10 =	vor.u32 v11, v10;
	v7 =	vpop (erf)  }
0xa6: {  	v15 =	vld.idx.msk [tilespmem:v9+s13+$0x0], $0xffff;
	(erf) = vpow2.f32 v62;
	v63 =	vmul.f32 $1.442695020e+00, v17;
	v20 =	vadd.f32 v7, v20  }
0xa7: {  	v11 =	vadd.s32 $0x8, v14;
	v12 =	vadd.s32 v0, v10;
	v17 =	vor.u32 $0x6, v8;
	v9 =	vpop (erf)  }
0xa8: {  	s17 =	simm.s32 $0x7A;
	v14 =	vld.idx.msk [tilespmem:v18+s13+$0x0], $0xffff;
	v18 =	vmul.f32 $1.442695020e+00, v19;
	(erf) = vpow2.f32 v63;
	v19 =	vadd.f32 v9, v20  }
.LBB2_4:
0xa9: {  	p0 =	sne.s32 s17, $0x1;
	v16 =	vmul.f32 $1.442695020e+00, v16;
	v13 =	vld.idx.msk [tilespmem:v13+s13+$0x0], $0xffff;
	v20 =	vor.u32 $0x7, v8;
	v4 =	vmax.f32 v4, v5;
	v5 =	vpop (erf)  }
0xaa: {  	v8 =	vmovc v12;
	(erf) = vpow2.f32 v18;
	v4 =	vmax.f32 v4, v6;
	v6 =	vadd.f32 v5, v19  }
0xab: {  	v12 =	vor.u32 $0x2, v8;
	v15 =	vmul.f32 $1.442695020e+00, v15;
	v4 =	vmax.f32 v4, v7;
	v7 =	vpop (erf)  }
0xac: {  	v17 =	vld.idx.msk [tilespmem:v17+s13+$0x0], $0xffff;
	(erf) = vpow2.f32 v16;
	v4 =	vmax.f32 v4, v9;
	v6 =	vadd.f32 v7, v6  }
0xad: {  	v9 =	vor.u32 $0x1, v8;
	v14 =	vmul.f32 $1.442695020e+00, v14;
	v4 =	vmax.f32 v4, v5;
	v5 =	vpop (erf)  }
0xae: {  	v18 =	vld.idx.msk [tilespmem:v20+s13+$0x0], $0xffff;
	(erf) = vpow2.f32 v15;
	v4 =	vmax.f32 v4, v7;
	v6 =	vadd.f32 v5, v6  }
0xaf: {  	v7 =	vadd.s32 v2, v10;
	v10 =	vmul.f32 $1.442695020e+00, v13;
	v4 =	vmax.f32 v4, v5;
	v5 =	vpop (erf)  }
0xb0: {  	v19 =	vld.idx.msk [tilespmem:v8+s13+$0x0], $0xffff;
	(erf) = vpow2.f32 v14;
	v21 =	vadd.f32 v5, v6;
	v4 =	vmax.f32 v4, v5  }
0xb1: {  	v13 =	vshll.u32 v11, $0x3;
	v14 =	vor.u32 $0x4, v8;
	v5 =	vpop (erf)  }
0xb2: {  	v15 =	vmul.f32 $1.442695020e+00, v17;
	v20 =	vld.idx.msk [tilespmem:v9+s13+$0x0], $0xffff;
	v9 =	vadd.f32 v5, v21;
	(erf) = vpow2.f32 v10  }
0xb3: {  	v17 =	vand.u32 $0xFFFFFC00, v13;
	v13 =	vor.u32 $0x5, v8;
	v10 =	vand.u32 $0x78, v11;
	v16 =	vld.idx.msk [tilespmem:v12+s13+$0x0], $0xffff;
	v6 =	vpop (erf)  }
.Ltmp1:
0xb4: {  	v12 =	vmul.f32 $1.442695020e+00, v18;
	v22 =	vadd.f32 v6, v9;
	(erf) = vpow2.f32 v15;
	(pc) =	sbr.rel @p0 .LBB2_4-.Ltmp1, $4  }
0xb5: {  	v10 =	vor.u32 v10, v17;
	v15 =	vld.idx.msk [tilespmem:v7+s13+$0x0], $0xffff;
	v7 =	vpop (erf)  }
0xb6: {  	v19 =	vmul.f32 $1.442695020e+00, v19;
	v21 =	vadd.f32 v7, v22;
	(erf) = vpow2.f32 v12  }
0xb7: {  	v11 =	vadd.s32 $0x8, v11;
	v17 =	vor.u32 $0x6, v8;
	v12 =	vadd.s32 v0, v10;
	v14 =	vld.idx.msk [tilespmem:v14+s13+$0x0], $0xffff;
	v9 =	vpop (erf)  }
0xb8: {  	s17 =	sadd.s32 $0xFFFFFFFF, s17;
	v18 =	vmul.f32 $1.442695020e+00, v20;
	(erf) = vpow2.f32 v19;
	v19 =	vadd.f32 v9, v21  }
0xb9: {  	_ =	sdelay $0x1  }
0xba: {  	v11 =	vmul.f32 $1.442695020e+00, v16;
	v16 =	vpop (erf)  }
0xbb: {  	v8 =	vor.u32 $0x7, v8;
	(erf) = vpow2.f32 v18;
	v18 =	vadd.f32 v16, v19  }
0xbc: {  	v13 =	vld.idx.msk [tilespmem:v13+s13+$0x0], $0xffff;
	v19 =	vpop (erf)  }
0xbd: {  	v15 =	vmul.f32 $1.442695020e+00, v15;
	(erf) = vpow2.f32 v11;
	v11 =	vadd.f32 v19, v18  }
0xbe: {  	v17 =	vld.idx.msk [tilespmem:v17+s13+$0x0], $0xffff;
	v18 =	vor.u32 $0x1, v12;
	v20 =	vpop (erf)  }
0xbf: {  	v14 =	vmul.f32 $1.442695020e+00, v14;
	(erf) = vpow2.f32 v15;
	v11 =	vadd.f32 v20, v11  }
0xc0: {  	v15 =	vor.u32 $0x2, v12;
	v8 =	vld.idx.msk [tilespmem:v8+s13+$0x0], $0xffff;
	v21 =	vpop (erf)  }
0xc1: {  	v13 =	vmul.f32 $1.442695020e+00, v13;
	(erf) = vpow2.f32 v14;
	v11 =	vadd.f32 v21, v11  }
0xc2: {  	v10 =	vadd.s32 v2, v10;
	v14 =	vld.idx.msk [tilespmem:v12+s13+$0x0], $0xffff;
	v22 =	vpop (erf)  }
0xc3: {  	v17 =	vmul.f32 $1.442695020e+00, v17;
	(erf) = vpow2.f32 v13;
	v18 =	vld.idx.msk [tilespmem:v18+s13+$0x0], $0xffff;
	v11 =	vadd.f32 v22, v11  }
0xc4: {  	v13 =	vor.u32 $0x4, v12;
	v23 =	vpop (erf)  }
0xc5: {  	v15 =	vld.idx.msk [tilespmem:v15+s13+$0x0], $0xffff;
	v8 =	vmul.f32 $1.442695020e+00, v8;
	(erf) = vpow2.f32 v17;
	v11 =	vadd.f32 v23, v11  }
0xc6: {  	v17 =	vor.u32 $0x5, v12;
	v24 =	vpop (erf)  }
0xc7: {  	v14 =	vmul.f32 $1.442695020e+00, v14;
	(erf) = vpow2.f32 v8;
	v11 =	vadd.f32 v24, v11  }
0xc8: {  	v8 =	vld.idx.msk [tilespmem:v10+s13+$0x0], $0xffff;
	v25 =	vpop (erf);
	v18 =	vmul.f32 $1.442695020e+00, v18  }
0xc9: {  	v10 =	vor.u32 $0x6, v12;
	(erf) = vpow2.f32 v14;
	v11 =	vadd.f32 v25, v11  }
0xca: {  	v13 =	vld.idx.msk [tilespmem:v13+s13+$0x0], $0xffff;
	v14 =	vmul.f32 $1.442695020e+00, v15;
	v15 =	vpop (erf)  }
0xcb: {  	v12 =	vor.u32 $0x7, v12;
	(erf) = vpow2.f32 v18;
	v11 =	vadd.f32 v15, v11  }
0xcc: {  	v17 =	vld.idx.msk [tilespmem:v17+s13+$0x0], $0xffff;
	v18 =	vpop (erf)  }
0xcd: {  	v8 =	vmul.f32 $1.442695020e+00, v8;
	(erf) = vpow2.f32 v14;
	v11 =	vadd.f32 v18, v11  }
0xce: {  	v10 =	vld.idx.msk [tilespmem:v10+s13+$0x0], $0xffff;
	v14 =	vpop (erf)  }
0xcf: {  	v13 =	vmul.f32 $1.442695020e+00, v13;
	(erf) = vpow2.f32 v8;
	v8 =	vadd.f32 v14, v11  }
0xd0: {  	v4 =	vmax.f32 v4, v5;
	v11 =	vld.idx.msk [tilespmem:v12+s13+$0x0], $0xffff;
	v12 =	vpop (erf)  }
0xd1: {  	(erf) = vpow2.f32 v13;
	v13 =	vmul.f32 $1.442695020e+00, v17;
	v8 =	vadd.f32 v12, v8  }
0xd2: {  	v4 =	vmax.f32 v4, v6;
	v5 =	vpop (erf)  }
0xd3: {  	v10 =	vmul.f32 $1.442695020e+00, v10;
	(erf) = vpow2.f32 v13;
	v8 =	vadd.f32 v5, v8  }
0xd4: {  	v4 =	vmax.f32 v4, v7;
	v6 =	vpop (erf)  }
0xd5: {  	(erf) = vpow2.f32 v10;
	v10 =	vmul.f32 $1.442695020e+00, v11;
	v8 =	vadd.f32 v6, v8  }
0xd6: {  	v3 =	vmul.f32 $1.442695020e+00, v3;
	v4 =	vmax.f32 v4, v9;
	v7 =	vpop (erf)  }
0xd7: {  	v4 =	vmax.f32 v4, v16;
	(erf) = vpow2.f32 v10;
	v8 =	vadd.f32 v7, v8  }
0xd8: {  	v9 =	vpop (erf)  }
0xd9: {  	(erf) = vpow2.f32 v3;
	v8 =	vadd.f32 v9, v8  }
0xda: {  	v3 =	vmax.f32 v4, v19;
	v4 =	vpop (erf)  }
0xdb: {  	v3 =	vmax.f32 v3, v20;
	v8 =	vadd.f32 v4, v8  }
0xdc: {  	v3 =	vmax.f32 v3, v21;
	v10 =	vpop (erf)  }
0xdd: {  	v3 =	vmax.f32 v3, v22;
	v8 =	vadd.f32 v10, v8  }
0xde: {  	v3 =	vmax.f32 v3, v23;
	v11 =	vpop (erf)  }
0xdf: {  	v3 =	vmax.f32 v3, v24;
	v8 =	vadd.f32 v11, v8  }
0xe0: {  	v3 =	vmax.f32 v3, v25;
	v13 =	vpop (erf)  }
0xe1: {  	v3 =	vmax.f32 v3, v15;
	v8 =	vadd.f32 v13, v8  }
0xe2: {  	v3 =	vmax.f32 v3, v18;
	v15 =	vpop (erf)  }
0xe3: {  	v3 =	vmax.f32 v3, v14;
	v8 =	vadd.f32 v8, v15  }
0xe4: {  	v3 =	vmax.f32 v3, v12  }
0xe5: {  	v3 =	vmax.f32 v3, v5;
	(erf) = vrcp.f32 v8  }
0xe6: {  	v3 =	vmax.f32 v3, v6  }
0xe7: {  	v3 =	vmax.f32 v3, v7  }
0xe8: {  	v3 =	vmax.f32 v3, v9  }
0xe9: {  	v3 =	vmax.f32 v3, v4  }
0xea: {  	v3 =	vmax.f32 v3, v10  }
0xeb: {  	v3 =	vmax.f32 v3, v11  }
0xec: {  	v4 =	vld [tilespmem:$0x8080];
	v3 =	vmax.f32 v3, v13  }
0xed: {  	v3 =	vsub.f32 v3, v15  }
0xee: {  	v5 =	vpop (erf)  }
0xef: {  	v3 =	vmul.f32 v5, v3;
	_ =	sdelay $0x1  }
0xf0: {  	v3 =	vadd.f32 v4, v3;
	_ =	sdelay $0x1  }
0xf1: {  	[tilespmem:$0x8080] =	vst v3  }
0xf2: {  	_ =	swait.ge [sflag:s12], $0x4000  }
0xf3: {  	[sflag:s12] =	ssyncset.done $0x0  }
0xf4: {  	[sflag:s12] =	ssyncadd.s32 $0xFFFFC000  }
0xf5: {  	[tilespmem:s13], [sflag:$0x2] =	stream.linear.gather [hbm4b:s7+s2], $0x4000, $0x38;
	[tilespmem:$0x8100] =	vst v63  }
0xf6: {  	v3 =	vld [tilespmem:$0x8020];
	_ =	sdelay $0x4  }
0xf7: {  	v4 =	vshll.u32 v3, $0x3  }
0xf8: {  	v5 =	vimm.s32 $0x0;
	v3 =	vand.u32 $0x7F, v3;
	v4 =	vand.u32 $0xFFFFFC00, v4  }
0xf9: {  	v3 =	vor.u32 v3, v4;
	v4 =	vshll.u32 v5, $0x3  }
0xfa: {  	v6 =	vadd.s32 v0, v3;
	v3 =	vand.u32 $0x78, v5;
	v4 =	vand.u32 $0xFFFFFC00, v4  }
0xfb: {  	v4 =	vor.u32 v3, v4  }
0xfc: {  	v7 =	vadd.s32 v0, v4;
	_ =	sdelay $0x1  }
0xfd: {  	v8 =	vor.u32 $0x1, v7;
	_ =	sdelay $0x1  }
0xfe: {  	v3 =	vld.idx.msk [tilespmem:v6+s2+$0x0], $0xffff;
	[tilespmem:v6+s2+$0x0] =	vst.idx.msk $0xffff, v1;
	v6 =	vor.u32 $0x2, v7  }
0xff: {  	v9 =	vld.idx.msk [tilespmem:v7+s2+$0x0], $0xffff  }
0x100: {  	v4 =	vadd.s32 v2, v4  }
0x101: {  	v8 =	vld.idx.msk [tilespmem:v8+s2+$0x0], $0xffff  }
0x102: {  	v10 =	vor.u32 $0x4, v7  }
0x103: {  	v6 =	vld.idx.msk [tilespmem:v6+s2+$0x0], $0xffff  }
0x104: {  	v5 =	vadd.s32 $0x8, v5;
	v11 =	vor.u32 $0x5, v7;
	v9 =	vmul.f32 $1.442695020e+00, v9  }
0x105: {  	v12 =	vshll.u32 v5, $0x3;
	v4 =	vld.idx.msk [tilespmem:v4+s2+$0x0], $0xffff  }
0x106: {  	v13 =	vor.u32 $0x6, v7;
	v8 =	vmul.f32 $1.442695020e+00, v8;
	(erf) = vpow2.f32 v9  }
0x107: {  	v12 =	vand.u32 $0xFFFFFC00, v12;
	v7 =	vor.u32 $0x7, v7;
	v10 =	vld.idx.msk [tilespmem:v10+s2+$0x0], $0xffff  }
0x108: {  	v9 =	vand.u32 $0x78, v5;
	v6 =	vmul.f32 $1.442695020e+00, v6;
	(erf) = vpow2.f32 v8  }
0x109: {  	v11 =	vld.idx.msk [tilespmem:v11+s2+$0x0], $0xffff;
	v9 =	vor.u32 v9, v12  }
0x10a: {  	v4 =	vmul.f32 $1.442695020e+00, v4;
	v8 =	vadd.s32 v0, v9;
	(erf) = vpow2.f32 v6  }
0x10b: {  	v6 =	vld.idx.msk [tilespmem:v13+s2+$0x0], $0xffff;
	v12 =	vor.u32 $0x1, v8  }
0x10c: {  	v7 =	vld.idx.msk [tilespmem:v7+s2+$0x0], $0xffff;
	v10 =	vmul.f32 $1.442695020e+00, v10;
	(erf) = vpow2.f32 v4  }
0x10d: {  	v14 =	vadd.s32 $0x8, v5;
	v15 =	vor.u32 $0x2, v8  }
0x10e: {  	v11 =	vmul.f32 $1.442695020e+00, v11;
	v9 =	vadd.s32 v2, v9;
	(erf) = vpow2.f32 v10  }
0x10f: {  	v18 =	vor.u32 $0x4, v8;
	v4 =	vimm.f32 $0.0e+00;
	v10 =	vshll.u32 v14, $0x3;
	v17 =	vld.idx.msk [tilespmem:v8+s2+$0x0], $0xffff;
	v5 =	vpop (erf)  }
0x110: {  	v19 =	vld.idx.msk [tilespmem:v12+s2+$0x0], $0xffff;
	v12 =	vmul.f32 $1.442695020e+00, v6;
	(erf) = vpow2.f32 v11;
	v13 =	vadd.f32 v5, v4  }
0x111: {  	v62 =	vmul.f32 $1.442695020e+00, v7;
	v10 =	vand.u32 $0xFFFFFC00, v10;
	v11 =	vand.u32 $0x78, v14;
	v6 =	vpop (erf)  }
0x112: {  	v16 =	vld.idx.msk [tilespmem:v15+s2+$0x0], $0xffff;
	(erf) = vpow2.f32 v12;
	v20 =	vadd.f32 v6, v13;
	v13 =	vor.u32 $0x5, v8  }
0x113: {  	v10 =	vor.u32 v11, v10;
	v7 =	vpop (erf)  }
0x114: {  	v15 =	vld.idx.msk [tilespmem:v9+s2+$0x0], $0xffff;
	(erf) = vpow2.f32 v62;
	v63 =	vmul.f32 $1.442695020e+00, v17;
	v20 =	vadd.f32 v7, v20  }
0x115: {  	v11 =	vadd.s32 $0x8, v14;
	v12 =	vadd.s32 v0, v10;
	v17 =	vor.u32 $0x6, v8;
	v9 =	vpop (erf)  }
0x116: {  	s17 =	simm.s32 $0x7A;
	v14 =	vld.idx.msk [tilespmem:v18+s2+$0x0], $0xffff;
	v18 =	vmul.f32 $1.442695020e+00, v19;
	(erf) = vpow2.f32 v63;
	v19 =	vadd.f32 v9, v20  }
.LBB2_6:
0x117: {  	p0 =	sne.s32 s17, $0x1;
	v16 =	vmul.f32 $1.442695020e+00, v16;
	v13 =	vld.idx.msk [tilespmem:v13+s2+$0x0], $0xffff;
	v20 =	vor.u32 $0x7, v8;
	v4 =	vmax.f32 v4, v5;
	v5 =	vpop (erf)  }
0x118: {  	v8 =	vmovc v12;
	(erf) = vpow2.f32 v18;
	v4 =	vmax.f32 v4, v6;
	v6 =	vadd.f32 v5, v19  }
0x119: {  	v12 =	vor.u32 $0x2, v8;
	v15 =	vmul.f32 $1.442695020e+00, v15;
	v4 =	vmax.f32 v4, v7;
	v7 =	vpop (erf)  }
0x11a: {  	v17 =	vld.idx.msk [tilespmem:v17+s2+$0x0], $0xffff;
	(erf) = vpow2.f32 v16;
	v4 =	vmax.f32 v4, v9;
	v6 =	vadd.f32 v7, v6  }
0x11b: {  	v9 =	vor.u32 $0x1, v8;
	v14 =	vmul.f32 $1.442695020e+00, v14;
	v4 =	vmax.f32 v4, v5;
	v5 =	vpop (erf)  }
0x11c: {  	v18 =	vld.idx.msk [tilespmem:v20+s2+$0x0], $0xffff;
	(erf) = vpow2.f32 v15;
	v4 =	vmax.f32 v4, v7;
	v6 =	vadd.f32 v5, v6  }
0x11d: {  	v7 =	vadd.s32 v2, v10;
	v10 =	vmul.f32 $1.442695020e+00, v13;
	v4 =	vmax.f32 v4, v5;
	v5 =	vpop (erf)  }
0x11e: {  	v19 =	vld.idx.msk [tilespmem:v8+s2+$0x0], $0xffff;
	(erf) = vpow2.f32 v14;
	v21 =	vadd.f32 v5, v6;
	v4 =	vmax.f32 v4, v5  }
0x11f: {  	v13 =	vshll.u32 v11, $0x3;
	v14 =	vor.u32 $0x4, v8;
	v5 =	vpop (erf)  }
0x120: {  	v15 =	vmul.f32 $1.442695020e+00, v17;
	v20 =	vld.idx.msk [tilespmem:v9+s2+$0x0], $0xffff;
	v9 =	vadd.f32 v5, v21;
	(erf) = vpow2.f32 v10  }
0x121: {  	v17 =	vand.u32 $0xFFFFFC00, v13;
	v13 =	vor.u32 $0x5, v8;
	v10 =	vand.u32 $0x78, v11;
	v16 =	vld.idx.msk [tilespmem:v12+s2+$0x0], $0xffff;
	v6 =	vpop (erf)  }
.Ltmp2:
0x122: {  	v12 =	vmul.f32 $1.442695020e+00, v18;
	v22 =	vadd.f32 v6, v9;
	(erf) = vpow2.f32 v15;
	(pc) =	sbr.rel @p0 .LBB2_6-.Ltmp2, $4  }
0x123: {  	v10 =	vor.u32 v10, v17;
	v15 =	vld.idx.msk [tilespmem:v7+s2+$0x0], $0xffff;
	v7 =	vpop (erf)  }
0x124: {  	v19 =	vmul.f32 $1.442695020e+00, v19;
	v21 =	vadd.f32 v7, v22;
	(erf) = vpow2.f32 v12  }
0x125: {  	v11 =	vadd.s32 $0x8, v11;
	v17 =	vor.u32 $0x6, v8;
	v12 =	vadd.s32 v0, v10;
	v14 =	vld.idx.msk [tilespmem:v14+s2+$0x0], $0xffff;
	v9 =	vpop (erf)  }
0x126: {  	s17 =	sadd.s32 $0xFFFFFFFF, s17;
	v18 =	vmul.f32 $1.442695020e+00, v20;
	(erf) = vpow2.f32 v19;
	v19 =	vadd.f32 v9, v21  }
0x127: {  	_ =	sdelay $0x1  }
0x128: {  	v11 =	vmul.f32 $1.442695020e+00, v16;
	v16 =	vpop (erf)  }
0x129: {  	v8 =	vor.u32 $0x7, v8;
	(erf) = vpow2.f32 v18;
	v18 =	vadd.f32 v16, v19  }
0x12a: {  	v13 =	vld.idx.msk [tilespmem:v13+s2+$0x0], $0xffff;
	v19 =	vpop (erf)  }
0x12b: {  	v15 =	vmul.f32 $1.442695020e+00, v15;
	(erf) = vpow2.f32 v11;
	v11 =	vadd.f32 v19, v18  }
0x12c: {  	v17 =	vld.idx.msk [tilespmem:v17+s2+$0x0], $0xffff;
	v18 =	vor.u32 $0x1, v12;
	v20 =	vpop (erf)  }
0x12d: {  	v14 =	vmul.f32 $1.442695020e+00, v14;
	(erf) = vpow2.f32 v15;
	v11 =	vadd.f32 v20, v11  }
0x12e: {  	v15 =	vor.u32 $0x2, v12;
	v8 =	vld.idx.msk [tilespmem:v8+s2+$0x0], $0xffff;
	v21 =	vpop (erf)  }
0x12f: {  	v13 =	vmul.f32 $1.442695020e+00, v13;
	(erf) = vpow2.f32 v14;
	v11 =	vadd.f32 v21, v11  }
0x130: {  	v10 =	vadd.s32 v2, v10;
	v14 =	vld.idx.msk [tilespmem:v12+s2+$0x0], $0xffff;
	v22 =	vpop (erf)  }
0x131: {  	v17 =	vmul.f32 $1.442695020e+00, v17;
	(erf) = vpow2.f32 v13;
	v18 =	vld.idx.msk [tilespmem:v18+s2+$0x0], $0xffff;
	v11 =	vadd.f32 v22, v11  }
0x132: {  	v13 =	vor.u32 $0x4, v12;
	v23 =	vpop (erf)  }
0x133: {  	v15 =	vld.idx.msk [tilespmem:v15+s2+$0x0], $0xffff;
	v8 =	vmul.f32 $1.442695020e+00, v8;
	(erf) = vpow2.f32 v17;
	v11 =	vadd.f32 v23, v11  }
0x134: {  	v17 =	vor.u32 $0x5, v12;
	v24 =	vpop (erf)  }
0x135: {  	v14 =	vmul.f32 $1.442695020e+00, v14;
	(erf) = vpow2.f32 v8;
	v11 =	vadd.f32 v24, v11  }
0x136: {  	v8 =	vld.idx.msk [tilespmem:v10+s2+$0x0], $0xffff;
	v25 =	vpop (erf);
	v18 =	vmul.f32 $1.442695020e+00, v18  }
0x137: {  	v10 =	vor.u32 $0x6, v12;
	(erf) = vpow2.f32 v14;
	v11 =	vadd.f32 v25, v11  }
0x138: {  	v13 =	vld.idx.msk [tilespmem:v13+s2+$0x0], $0xffff;
	v14 =	vmul.f32 $1.442695020e+00, v15;
	v15 =	vpop (erf)  }
0x139: {  	v12 =	vor.u32 $0x7, v12;
	(erf) = vpow2.f32 v18;
	v11 =	vadd.f32 v15, v11  }
0x13a: {  	v17 =	vld.idx.msk [tilespmem:v17+s2+$0x0], $0xffff;
	v18 =	vpop (erf)  }
0x13b: {  	v8 =	vmul.f32 $1.442695020e+00, v8;
	(erf) = vpow2.f32 v14;
	v11 =	vadd.f32 v18, v11  }
0x13c: {  	v10 =	vld.idx.msk [tilespmem:v10+s2+$0x0], $0xffff;
	v14 =	vpop (erf)  }
0x13d: {  	v13 =	vmul.f32 $1.442695020e+00, v13;
	(erf) = vpow2.f32 v8;
	v8 =	vadd.f32 v14, v11  }
0x13e: {  	v4 =	vmax.f32 v4, v5;
	v11 =	vld.idx.msk [tilespmem:v12+s2+$0x0], $0xffff;
	v12 =	vpop (erf)  }
0x13f: {  	(erf) = vpow2.f32 v13;
	v13 =	vmul.f32 $1.442695020e+00, v17;
	v8 =	vadd.f32 v12, v8  }
0x140: {  	v4 =	vmax.f32 v4, v6;
	v5 =	vpop (erf)  }
0x141: {  	v10 =	vmul.f32 $1.442695020e+00, v10;
	(erf) = vpow2.f32 v13;
	v8 =	vadd.f32 v5, v8  }
0x142: {  	v4 =	vmax.f32 v4, v7;
	v6 =	vpop (erf)  }
0x143: {  	(erf) = vpow2.f32 v10;
	v10 =	vmul.f32 $1.442695020e+00, v11;
	v8 =	vadd.f32 v6, v8  }
0x144: {  	v3 =	vmul.f32 $1.442695020e+00, v3;
	v4 =	vmax.f32 v4, v9;
	v7 =	vpop (erf)  }
0x145: {  	v4 =	vmax.f32 v4, v16;
	(erf) = vpow2.f32 v10;
	v8 =	vadd.f32 v7, v8  }
0x146: {  	v9 =	vpop (erf)  }
0x147: {  	(erf) = vpow2.f32 v3;
	v8 =	vadd.f32 v9, v8  }
0x148: {  	v3 =	vmax.f32 v4, v19;
	v4 =	vpop (erf)  }
0x149: {  	v3 =	vmax.f32 v3, v20;
	v8 =	vadd.f32 v4, v8  }
0x14a: {  	v3 =	vmax.f32 v3, v21;
	v10 =	vpop (erf)  }
0x14b: {  	v3 =	vmax.f32 v3, v22;
	v8 =	vadd.f32 v10, v8  }
0x14c: {  	v3 =	vmax.f32 v3, v23;
	v11 =	vpop (erf)  }
0x14d: {  	v3 =	vmax.f32 v3, v24;
	v8 =	vadd.f32 v11, v8  }
0x14e: {  	v3 =	vmax.f32 v3, v25;
	v13 =	vpop (erf)  }
0x14f: {  	v3 =	vmax.f32 v3, v15;
	v8 =	vadd.f32 v13, v8  }
0x150: {  	v3 =	vmax.f32 v3, v18;
	v15 =	vpop (erf)  }
0x151: {  	v3 =	vmax.f32 v3, v14;
	v8 =	vadd.f32 v8, v15  }
0x152: {  	v3 =	vmax.f32 v3, v12  }
0x153: {  	v3 =	vmax.f32 v3, v5;
	(erf) = vrcp.f32 v8  }
0x154: {  	v3 =	vmax.f32 v3, v6  }
0x155: {  	v3 =	vmax.f32 v3, v7  }
0x156: {  	v3 =	vmax.f32 v3, v9  }
0x157: {  	v3 =	vmax.f32 v3, v4  }
0x158: {  	v3 =	vmax.f32 v3, v10  }
0x159: {  	v3 =	vmax.f32 v3, v11  }
0x15a: {  	v4 =	vld [tilespmem:$0x8080];
	v3 =	vmax.f32 v3, v13  }
0x15b: {  	v3 =	vsub.f32 v3, v15  }
0x15c: {  	v5 =	vpop (erf)  }
0x15d: {  	v3 =	vmul.f32 v5, v3;
	_ =	sdelay $0x1  }
0x15e: {  	v3 =	vadd.f32 v4, v3;
	_ =	sdelay $0x1  }
0x15f: {  	[tilespmem:$0x8080] =	vst v3  }
0x160: {  	_ =	swait.ge [sflag:s14], $0x4000  }
0x161: {  	[sflag:s14] =	ssyncset.done $0x0  }
0x162: {  	[sflag:s14] =	ssyncadd.s32 $0xFFFFC000  }
0x163: {  	v3 =	vld [tilespmem:$0x8030];
	_ =	sdelay $0x4  }
0x164: {  	v4 =	vshll.u32 v3, $0x3  }
0x165: {  	v5 =	vimm.s32 $0x0;
	v3 =	vand.u32 $0x7F, v3;
	v4 =	vand.u32 $0xFFFFFC00, v4  }
0x166: {  	v3 =	vor.u32 v3, v4;
	v4 =	vshll.u32 v5, $0x3  }
0x167: {  	v6 =	vadd.s32 v0, v3;
	v3 =	vand.u32 $0x78, v5;
	v4 =	vand.u32 $0xFFFFFC00, v4  }
0x168: {  	v4 =	vor.u32 v3, v4  }
0x169: {  	v7 =	vadd.s32 v0, v4;
	_ =	sdelay $0x1  }
0x16a: {  	v8 =	vor.u32 $0x1, v7;
	_ =	sdelay $0x1  }
0x16b: {  	v3 =	vld.idx.msk [tilespmem:v6+s13+$0x0], $0xffff;
	[tilespmem:v6+s13+$0x0] =	vst.idx.msk $0xffff, v1;
	v6 =	vor.u32 $0x2, v7  }
0x16c: {  	v9 =	vld.idx.msk [tilespmem:v7+s13+$0x0], $0xffff  }
0x16d: {  	v4 =	vadd.s32 v2, v4  }
0x16e: {  	v8 =	vld.idx.msk [tilespmem:v8+s13+$0x0], $0xffff  }
0x16f: {  	v10 =	vor.u32 $0x4, v7  }
0x170: {  	v6 =	vld.idx.msk [tilespmem:v6+s13+$0x0], $0xffff  }
0x171: {  	v5 =	vadd.s32 $0x8, v5;
	v11 =	vor.u32 $0x5, v7;
	v9 =	vmul.f32 $1.442695020e+00, v9  }
0x172: {  	v12 =	vshll.u32 v5, $0x3;
	v4 =	vld.idx.msk [tilespmem:v4+s13+$0x0], $0xffff  }
0x173: {  	v13 =	vor.u32 $0x6, v7;
	v8 =	vmul.f32 $1.442695020e+00, v8;
	(erf) = vpow2.f32 v9  }
0x174: {  	v12 =	vand.u32 $0xFFFFFC00, v12;
	v7 =	vor.u32 $0x7, v7;
	v10 =	vld.idx.msk [tilespmem:v10+s13+$0x0], $0xffff  }
0x175: {  	v9 =	vand.u32 $0x78, v5;
	v6 =	vmul.f32 $1.442695020e+00, v6;
	(erf) = vpow2.f32 v8  }
0x176: {  	v11 =	vld.idx.msk [tilespmem:v11+s13+$0x0], $0xffff;
	v9 =	vor.u32 v9, v12  }
0x177: {  	v4 =	vmul.f32 $1.442695020e+00, v4;
	v8 =	vadd.s32 v0, v9;
	(erf) = vpow2.f32 v6  }
0x178: {  	v6 =	vld.idx.msk [tilespmem:v13+s13+$0x0], $0xffff;
	v12 =	vor.u32 $0x1, v8  }
0x179: {  	v7 =	vld.idx.msk [tilespmem:v7+s13+$0x0], $0xffff;
	v10 =	vmul.f32 $1.442695020e+00, v10;
	(erf) = vpow2.f32 v4  }
0x17a: {  	v14 =	vadd.s32 $0x8, v5;
	v15 =	vor.u32 $0x2, v8  }
0x17b: {  	v11 =	vmul.f32 $1.442695020e+00, v11;
	v9 =	vadd.s32 v2, v9;
	(erf) = vpow2.f32 v10  }
0x17c: {  	v18 =	vor.u32 $0x4, v8;
	v4 =	vimm.f32 $0.0e+00;
	v10 =	vshll.u32 v14, $0x3;
	v17 =	vld.idx.msk [tilespmem:v8+s13+$0x0], $0xffff;
	v5 =	vpop (erf)  }
0x17d: {  	v19 =	vld.idx.msk [tilespmem:v12+s13+$0x0], $0xffff;
	v12 =	vmul.f32 $1.442695020e+00, v6;
	(erf) = vpow2.f32 v11;
	v13 =	vadd.f32 v5, v4  }
0x17e: {  	v62 =	vmul.f32 $1.442695020e+00, v7;
	v10 =	vand.u32 $0xFFFFFC00, v10;
	v11 =	vand.u32 $0x78, v14;
	v6 =	vpop (erf)  }
0x17f: {  	v16 =	vld.idx.msk [tilespmem:v15+s13+$0x0], $0xffff;
	(erf) = vpow2.f32 v12;
	v20 =	vadd.f32 v6, v13;
	v13 =	vor.u32 $0x5, v8  }
0x180: {  	v10 =	vor.u32 v11, v10;
	v7 =	vpop (erf)  }
0x181: {  	v15 =	vld.idx.msk [tilespmem:v9+s13+$0x0], $0xffff;
	(erf) = vpow2.f32 v62;
	v63 =	vmul.f32 $1.442695020e+00, v17;
	v20 =	vadd.f32 v7, v20  }
0x182: {  	v11 =	vadd.s32 $0x8, v14;
	v12 =	vadd.s32 v0, v10;
	v17 =	vor.u32 $0x6, v8;
	v9 =	vpop (erf)  }
0x183: {  	s17 =	simm.s32 $0x7A;
	v14 =	vld.idx.msk [tilespmem:v18+s13+$0x0], $0xffff;
	v18 =	vmul.f32 $1.442695020e+00, v19;
	(erf) = vpow2.f32 v63;
	v19 =	vadd.f32 v9, v20  }
.LBB2_8:
0x184: {  	p0 =	sne.s32 s17, $0x1;
	v16 =	vmul.f32 $1.442695020e+00, v16;
	v13 =	vld.idx.msk [tilespmem:v13+s13+$0x0], $0xffff;
	v20 =	vor.u32 $0x7, v8;
	v4 =	vmax.f32 v4, v5;
	v5 =	vpop (erf)  }
0x185: {  	v8 =	vmovc v12;
	(erf) = vpow2.f32 v18;
	v4 =	vmax.f32 v4, v6;
	v6 =	vadd.f32 v5, v19  }
0x186: {  	v12 =	vor.u32 $0x2, v8;
	v15 =	vmul.f32 $1.442695020e+00, v15;
	v4 =	vmax.f32 v4, v7;
	v7 =	vpop (erf)  }
0x187: {  	v17 =	vld.idx.msk [tilespmem:v17+s13+$0x0], $0xffff;
	(erf) = vpow2.f32 v16;
	v4 =	vmax.f32 v4, v9;
	v6 =	vadd.f32 v7, v6  }
0x188: {  	v9 =	vor.u32 $0x1, v8;
	v14 =	vmul.f32 $1.442695020e+00, v14;
	v4 =	vmax.f32 v4, v5;
	v5 =	vpop (erf)  }
0x189: {  	v18 =	vld.idx.msk [tilespmem:v20+s13+$0x0], $0xffff;
	(erf) = vpow2.f32 v15;
	v4 =	vmax.f32 v4, v7;
	v6 =	vadd.f32 v5, v6  }
0x18a: {  	v7 =	vadd.s32 v2, v10;
	v10 =	vmul.f32 $1.442695020e+00, v13;
	v4 =	vmax.f32 v4, v5;
	v5 =	vpop (erf)  }
0x18b: {  	v19 =	vld.idx.msk [tilespmem:v8+s13+$0x0], $0xffff;
	(erf) = vpow2.f32 v14;
	v21 =	vadd.f32 v5, v6;
	v4 =	vmax.f32 v4, v5  }
0x18c: {  	v13 =	vshll.u32 v11, $0x3;
	v14 =	vor.u32 $0x4, v8;
	v5 =	vpop (erf)  }
0x18d: {  	v15 =	vmul.f32 $1.442695020e+00, v17;
	v20 =	vld.idx.msk [tilespmem:v9+s13+$0x0], $0xffff;
	v9 =	vadd.f32 v5, v21;
	(erf) = vpow2.f32 v10  }
0x18e: {  	v17 =	vand.u32 $0xFFFFFC00, v13;
	v13 =	vor.u32 $0x5, v8;
	v10 =	vand.u32 $0x78, v11;
	v16 =	vld.idx.msk [tilespmem:v12+s13+$0x0], $0xffff;
	v6 =	vpop (erf)  }
.Ltmp3:
0x18f: {  	v12 =	vmul.f32 $1.442695020e+00, v18;
	v22 =	vadd.f32 v6, v9;
	(erf) = vpow2.f32 v15;
	(pc) =	sbr.rel @p0 .LBB2_8-.Ltmp3, $4  }
0x190: {  	v10 =	vor.u32 v10, v17;
	v15 =	vld.idx.msk [tilespmem:v7+s13+$0x0], $0xffff;
	v7 =	vpop (erf)  }
0x191: {  	v19 =	vmul.f32 $1.442695020e+00, v19;
	v21 =	vadd.f32 v7, v22;
	(erf) = vpow2.f32 v12  }
0x192: {  	v11 =	vadd.s32 $0x8, v11;
	v17 =	vor.u32 $0x6, v8;
	v12 =	vadd.s32 v0, v10;
	v14 =	vld.idx.msk [tilespmem:v14+s13+$0x0], $0xffff;
	v9 =	vpop (erf)  }
0x193: {  	s17 =	sadd.s32 $0xFFFFFFFF, s17;
	v18 =	vmul.f32 $1.442695020e+00, v20;
	(erf) = vpow2.f32 v19;
	v19 =	vadd.f32 v9, v21  }
0x194: {  	_ =	sdelay $0x1  }
0x195: {  	v11 =	vmul.f32 $1.442695020e+00, v16;
	v32 =	vpop (erf)  }
0x196: {  	v8 =	vor.u32 $0x7, v8;
	(erf) = vpow2.f32 v18;
	v33 =	vadd.f32 v32, v19  }
0x197: {  	v13 =	vld.idx.msk [tilespmem:v13+s13+$0x0], $0xffff;
	v34 =	vpop (erf)  }
0x198: {  	v15 =	vmul.f32 $1.442695020e+00, v15;
	(erf) = vpow2.f32 v11;
	v35 =	vadd.f32 v34, v33  }
0x199: {  	v17 =	vld.idx.msk [tilespmem:v17+s13+$0x0], $0xffff;
	v36 =	vor.u32 $0x1, v12;
	v20 =	vpop (erf)  }
0x19a: {  	v14 =	vmul.f32 $1.442695020e+00, v14;
	(erf) = vpow2.f32 v15;
	v11 =	vadd.f32 v20, v35  }
0x19b: {  	v37 =	vor.u32 $0x2, v12;
	v8 =	vld.idx.msk [tilespmem:v8+s13+$0x0], $0xffff;
	v21 =	vpop (erf)  }
0x19c: {  	v13 =	vmul.f32 $1.442695020e+00, v13;
	(erf) = vpow2.f32 v14;
	v11 =	vadd.f32 v21, v11  }
0x19d: {  	v10 =	vadd.s32 v2, v10;
	v38 =	vld.idx.msk [tilespmem:v12+s13+$0x0], $0xffff;
	v22 =	vpop (erf)  }
0x19e: {  	v17 =	vmul.f32 $1.442695020e+00, v17;
	(erf) = vpow2.f32 v13;
	v11 =	vadd.f32 v22, v11  }
0x19f: {  	v39 =	vor.u32 $0x4, v12;
	v18 =	vld.idx.msk [tilespmem:v36+s13+$0x0], $0xffff;
	v23 =	vpop (erf)  }
0x1a0: {  	v8 =	vmul.f32 $1.442695020e+00, v8;
	(erf) = vpow2.f32 v17;
	v11 =	vadd.f32 v23, v11  }
0x1a1: {  	v40 =	vor.u32 $0x5, v12;
	v15 =	vld.idx.msk [tilespmem:v37+s13+$0x0], $0xffff;
	v24 =	vpop (erf)  }
0x1a2: {  	v14 =	vmul.f32 $1.442695020e+00, v38;
	(erf) = vpow2.f32 v8;
	v11 =	vadd.f32 v24, v11  }
0x1a3: {  	v42 =	vor.u32 $0x6, v12;
	v41 =	vld.idx.msk [tilespmem:v10+s13+$0x0], $0xffff;
	v25 =	vpop (erf)  }
0x1a4: {  	v18 =	vmul.f32 $1.442695020e+00, v18;
	(erf) = vpow2.f32 v14;
	v11 =	vadd.f32 v25, v11  }
0x1a5: {  	v45 =	vor.u32 $0x7, v12;
	v13 =	vld.idx.msk [tilespmem:v39+s13+$0x0], $0xffff;
	v44 =	vpop (erf)  }
0x1a6: {  	v43 =	vmul.f32 $1.442695020e+00, v15;
	(erf) = vpow2.f32 v18;
	v11 =	vadd.f32 v44, v11  }
0x1a7: {  	v17 =	vld.idx.msk [tilespmem:v40+s13+$0x0], $0xffff;
	v46 =	vpop (erf)  }
0x1a8: {  	v8 =	vmul.f32 $1.442695020e+00, v41;
	(erf) = vpow2.f32 v43;
	v11 =	vadd.f32 v46, v11  }
0x1a9: {  	v10 =	vld.idx.msk [tilespmem:v42+s13+$0x0], $0xffff;
	v47 =	vpop (erf)  }
0x1aa: {  	v13 =	vmul.f32 $1.442695020e+00, v13;
	(erf) = vpow2.f32 v8;
	v48 =	vadd.f32 v47, v11  }
0x1ab: {  	v49 =	vld.idx.msk [tilespmem:v45+s13+$0x0], $0xffff;
	v50 =	vpop (erf)  }
0x1ac: {  	v51 =	vmul.f32 $1.442695020e+00, v17;
	(erf) = vpow2.f32 v13;
	v8 =	vadd.f32 v50, v48  }
0x1ad: {  	v52 =	vpop (erf)  }
0x1ae: {  	v10 =	vmul.f32 $1.442695020e+00, v10;
	(erf) = vpow2.f32 v51;
	v8 =	vadd.f32 v52, v8  }
0x1af: {  	v4 =	vmax.f32 v4, v5;
	v53 =	vpop (erf)  }
0x1b0: {  	v54 =	vmul.f32 $1.442695020e+00, v49;
	(erf) = vpow2.f32 v10;
	v8 =	vadd.f32 v53, v8  }
0x1b1: {  	v3 =	vmul.f32 $1.442695020e+00, v3;
	v4 =	vmax.f32 v4, v6;
	v55 =	vpop (erf)  }
0x1b2: {  	v4 =	vmax.f32 v4, v7;
	(erf) = vpow2.f32 v54;
	v8 =	vadd.f32 v55, v8  }
0x1b3: {  	v4 =	vmax.f32 v4, v9;
	v56 =	vpop (erf)  }
0x1b4: {  	v4 =	vmax.f32 v4, v32;
	(erf) = vpow2.f32 v3;
	v3 =	vadd.f32 v56, v8  }
0x1b5: {  	v4 =	vmax.f32 v4, v34;
	v57 =	vpop (erf)  }
0x1b6: {  	v4 =	vmax.f32 v4, v20;
	v3 =	vadd.f32 v57, v3  }
0x1b7: {  	v4 =	vmax.f32 v4, v21;
	v58 =	vpop (erf)  }
0x1b8: {  	v4 =	vmax.f32 v4, v22;
	v3 =	vadd.f32 v58, v3  }
0x1b9: {  	v4 =	vmax.f32 v4, v23;
	v59 =	vpop (erf)  }
0x1ba: {  	v4 =	vmax.f32 v4, v24;
	v3 =	vadd.f32 v59, v3  }
0x1bb: {  	v4 =	vmax.f32 v4, v25;
	v60 =	vpop (erf)  }
0x1bc: {  	v4 =	vmax.f32 v4, v44;
	v3 =	vadd.f32 v60, v3  }
0x1bd: {  	v4 =	vmax.f32 v4, v46;
	v61 =	vpop (erf)  }
0x1be: {  	v4 =	vmax.f32 v4, v47;
	v3 =	vadd.f32 v3, v61  }
0x1bf: {  	v4 =	vmax.f32 v4, v50  }
0x1c0: {  	v4 =	vmax.f32 v4, v52;
	(erf) = vrcp.f32 v3  }
0x1c1: {  	v3 =	vmax.f32 v4, v53  }
0x1c2: {  	v3 =	vmax.f32 v3, v55  }
0x1c3: {  	v3 =	vmax.f32 v3, v56  }
0x1c4: {  	v3 =	vmax.f32 v3, v57  }
0x1c5: {  	v3 =	vmax.f32 v3, v58  }
0x1c6: {  	v3 =	vmax.f32 v3, v59  }
0x1c7: {  	v62 =	vld [tilespmem:$0x8080];
	v3 =	vmax.f32 v3, v60  }
0x1c8: {  	v3 =	vsub.f32 v3, v61  }
0x1c9: {  	v63 =	vpop (erf)  }
0x1ca: {  	v3 =	vmul.f32 v63, v3;
	_ =	sdelay $0x1  }
0x1cb: {  	s16 =	sadd.s32 $0x1, s16;
	v3 =	vadd.f32 v62, v3  }
0x1cc: {  	p0 =	sne.s32 s16, s9  }
.Ltmp4:
0x1cd: {  	[tilespmem:$0x8080] =	vst v3;
	(pc) =	sbr.rel @p0 .LBB2_1-.Ltmp4, $4  }
0x1ce: {  	[hbm4b:s8+s2] =	stream.linear.scatter [tilespmem:s15], [sflag:$0x3], $0x10, $0x38;
	[tilespmem:$0x8100] =	vst v63  }
0x1cf: {  	_ =	swait.ge [sflag:s11], $0x10  }
0x1d0: {  	[sflag:s11] =	ssyncset.done $0x0  }
0x1d1: {  	[sflag:s11] =	ssyncadd.s32 $0xFFFFFFF0  }
0x1d2: {  	_ =	sfence.sel $0x180000  }
0x1d3: {  	[bflag:$0x0] =	sbarrier.arrive $0xFFFF  }
0x1d4: {  	p0 =	sne.s32 s1, $0x0;
	_ =	strace $0x90000047  }
0x1d5: {  	s0 =	sadd.s32 @!p0 $0x100000, s0;
	[bflag:$0x2] =	sbarrier.arrive $0xFFFF  }
0x1d6: {  	[sflag:s0] =	ssyncadd.tile.s32 @!p0 $0x1;
	_ =	shalt  }
.Lfunc_end2:
_tile_overlayer_lowered:
.L_overlay_start_2:
0x1d7: {  	(tag) =	ssettag $0x2  }
0x1d8: {  	s0 =	rddreg [dreg:$0x0];
	s2 =	stileid.u32  }
0x1d9: {  	s1 =	rddreg [dreg:$0x1];
	p0 =	sne.s32 s2, $0x0  }
0x1da: {  	s3 =	rddreg [dreg:$0x2];
	[bflag:$0x3] =	sbarrier.arrive $0xFFFF;
	s2 =	simm.s32 @!p0 $0x1C03  }
0x1db: {  	[timem:s3], [sflag:s2] =	dma.local @!p0 [hbm:s0], s1  }
0x1dc: {  	s0 =	simm.s32 @!p0 $0x3  }
0x1dd: {  	_ =	swait.ge @!p0 [sflag:s0], s1  }
0x1de: {  	s1 =	ssub.s32 @!p0 $0x0, s1;
	[sflag:s0] =	ssyncset.done @!p0 $0x0  }
0x1df: {  	[sflag:s0] =	ssyncadd.s32 @!p0 s1  }
0x1e0: {  	[bflag:$0x3] =	sbarrier.arrive $0xFFFF  }
0x1e1: {  	_ =	shalt  }

</sc_bundles>
